<compile_context>
chip_gen: v7x
topology: tpu7x:2x2x1
jax: 0.10.2.dev20260603
libtpu: 0.0.44.dev20260713+nightly
codegen_flags: <defaults>
</compile_context>

<pallas_src>
import functools

import jax
import jax.numpy as jnp
from jax import lax
from jax.experimental import pallas as pl
from jax.experimental.pallas import tpu as pltpu
from jax.experimental.pallas import tpu_sc as plsc

E = 64
K = 2
D_MODEL = 768
D_FF = 2048
T = 2048

BM = 128
S = T * K // BM + E
RP = S * BM

NC = 2
NS = 16
NW = NC * NS
TPW = T // NW


def _router_kernel(x_ref, wg_ref, di_ref, wt_ref, meta_ref):
    x = x_ref[...]
    logits = jnp.dot(x, wg_ref[...], preferred_element_type=jnp.float32)
    lane = lax.broadcasted_iota(jnp.int32, (T, E), 1).astype(jnp.float32)

    m1 = jnp.max(logits, axis=1, keepdims=True)
    e1 = jnp.min(jnp.where(logits == m1, lane, float(E)), axis=1, keepdims=True)
    masked = jnp.where(lane == e1, -jnp.inf, logits)
    m2 = jnp.max(masked, axis=1, keepdims=True)
    e2 = jnp.min(jnp.where(masked == m2, lane, float(E)), axis=1, keepdims=True)

    t = jnp.exp(m2 - m1)
    w_hi = 1.0 / (1.0 + t)
    w_lo = t / (1.0 + t)

    H1 = (lane == e1).astype(jnp.float32)
    H2 = (lane == e2).astype(jnp.float32)
    Hs = H1 + H2

    counts_row = jnp.sum(Hs, axis=0, keepdims=True)
    ones_col = jnp.full((T, 1), 1.0, dtype=jnp.float32)
    counts_col = lax.dot_general(Hs, ones_col, (((0,), (0,)), ((), ())),
                                 preferred_element_type=jnp.float32)

    ntiles_row = jnp.floor((counts_row + (BM - 1)) * (1.0 / BM))
    ntiles_col = jnp.floor((counts_col + (BM - 1)) * (1.0 / BM))
    ei = lax.broadcasted_iota(jnp.int32, (E, E), 0).astype(jnp.float32)
    ej = lax.broadcasted_iota(jnp.int32, (E, E), 1).astype(jnp.float32)
    tri_u = (ei < ej).astype(jnp.float32)
    tri_l = (ei > ej).astype(jnp.float32)
    cum_row = jnp.dot(ntiles_row, tri_u, preferred_element_type=jnp.float32)
    cum_col = jnp.dot(tri_l, ntiles_col, preferred_element_type=jnp.float32)
    starts_row = BM * cum_row
    total_tiles = jnp.sum(ntiles_row, axis=1, keepdims=True)

    s_iota = lax.broadcasted_iota(jnp.int32, (1, 128), 1).astype(jnp.float32)
    s_real = jnp.minimum(s_iota, total_tiles - 1.0)
    ge = (s_real >= cum_col).astype(jnp.float32)
    gid_row = jnp.sum(ge, axis=0, keepdims=True) - 1.0

    CH = 512
    ci = lax.broadcasted_iota(jnp.int32, (CH, CH), 0).astype(jnp.float32)
    cj = lax.broadcasted_iota(jnp.int32, (CH, CH), 1).astype(jnp.float32)
    Lc = (ci > cj).astype(jnp.float32)
    carry = jnp.zeros((1, E), dtype=jnp.float32)
    parts = []
    for c in range(T // CH):
        Hc = Hs[c * CH:(c + 1) * CH, :]
        parts.append(jnp.dot(Lc, Hc, preferred_element_type=jnp.float32) + carry)
        carry = carry + jnp.sum(Hc, axis=0, keepdims=True)
    P = jnp.concatenate(parts, axis=0)

    rank_hi = jnp.sum(P * H1, axis=1, keepdims=True)
    rank_lo = jnp.sum(P * H2, axis=1, keepdims=True)
    start_hi = jnp.sum(H1 * starts_row, axis=1, keepdims=True)
    start_lo = jnp.sum(H2 * starts_row, axis=1, keepdims=True)
    d_hi = start_hi + rank_hi
    d_lo = start_lo + rank_lo

    di_ref[...] = jnp.zeros((T, 8), dtype=jnp.int32)
    di_ref[:, 0:1] = d_hi.astype(jnp.int32)
    di_ref[:, 1:2] = d_lo.astype(jnp.int32)
    wt_ref[...] = jnp.zeros((T, 8), dtype=jnp.float32)
    wt_ref[:, 0:1] = w_hi
    wt_ref[:, 1:2] = w_lo
    meta_ref[...] = jnp.zeros((8, 128), dtype=jnp.int32)
    meta_ref[0:1, 0:E] = starts_row.astype(jnp.int32)
    meta_ref[1:2, 0:E] = counts_row.astype(jnp.int32)
    meta_ref[2:3, :] = s_real.astype(jnp.int32)
    meta_ref[3:4, :] = gid_row.astype(jnp.int32)


def _gmm_kernel(gid_ref, sid_ref, starts_ref, counts_ref,
                x_ref, w1_ref, w3_ref, w2_ref, out_ref):
    s = pl.program_id(0)

    @pl.when(sid_ref[s] == s)
    def _():
        g = gid_ref[s]
        xb = x_ref[...].astype(jnp.bfloat16)
        h = jnp.dot(xb, w1_ref[0].astype(jnp.bfloat16),
                    preferred_element_type=jnp.float32)
        gg = jnp.dot(xb, w3_ref[0].astype(jnp.bfloat16),
                     preferred_element_type=jnp.float32)
        a = (h / (1.0 + jnp.exp(-h))) * gg
        o = jnp.dot(a.astype(jnp.bfloat16), w2_ref[0].astype(jnp.bfloat16),
                    preferred_element_type=jnp.float32)
        row = lax.broadcasted_iota(jnp.int32, (BM, 1), 0)
        nvalid = counts_ref[g] - (sid_ref[s] * BM - starts_ref[g])
        out_ref[...] = jnp.where(row < nvalid, o, 0.0)


def _combine_kernel(a_ref, b_ref, wt_ref, o_ref):
    o_ref[...] = (a_ref[...] * wt_ref[:, 0:1] + b_ref[...] * wt_ref[:, 1:2])


def _scatter_x_body(x_hbm, de_hbm, do_hbm, out_hbm, idx_e, idx_o, rows, sem_e, sem_o):
    wid = lax.axis_index("s") * NC + lax.axis_index("c")
    base = wid * TPW
    pltpu.sync_copy(x_hbm.at[pl.ds(base, TPW), :], rows)
    pltpu.sync_copy(de_hbm.at[pl.ds(base, TPW)], idx_e)
    pltpu.sync_copy(do_hbm.at[pl.ds(base, TPW)], idx_o)
    ce = pltpu.async_copy(rows, out_hbm.at[idx_e], sem_e)
    co = pltpu.async_copy(rows, out_hbm.at[idx_o], sem_o)
    ce.wait()
    co.wait()


def _gather_out_body(osort_hbm, de_hbm, do_hbm, a_hbm, b_hbm,
                     idx_e, idx_o, rows_e, rows_o, sem_e, sem_o):
    wid = lax.axis_index("s") * NC + lax.axis_index("c")
    base = wid * TPW
    pltpu.sync_copy(de_hbm.at[pl.ds(base, TPW)], idx_e)
    pltpu.sync_copy(do_hbm.at[pl.ds(base, TPW)], idx_o)
    ce = pltpu.async_copy(osort_hbm.at[idx_e], rows_e, sem_e)
    co = pltpu.async_copy(osort_hbm.at[idx_o], rows_o, sem_o)
    ce.wait()
    co.wait()
    pltpu.sync_copy(rows_e, a_hbm.at[pl.ds(base, TPW), :])
    pltpu.sync_copy(rows_o, b_hbm.at[pl.ds(base, TPW), :])


@functools.cache
def _sc_kernels():
    mesh = plsc.VectorSubcoreMesh(core_axis_name="c", subcore_axis_name="s",
                                  num_cores=NC, num_subcores=NS)
    scatter_x = pl.kernel(
        _scatter_x_body,
        out_type=jax.ShapeDtypeStruct((RP, D_MODEL), jnp.float32),
        mesh=mesh,
        scratch_types=[
            pltpu.VMEM((TPW,), jnp.int32),
            pltpu.VMEM((TPW,), jnp.int32),
            pltpu.VMEM((TPW, D_MODEL), jnp.float32),
            pltpu.SemaphoreType.DMA,
            pltpu.SemaphoreType.DMA,
        ],
    )
    gather_out = pl.kernel(
        _gather_out_body,
        out_type=(jax.ShapeDtypeStruct((T, D_MODEL), jnp.float32),
                  jax.ShapeDtypeStruct((T, D_MODEL), jnp.float32)),
        mesh=mesh,
        scratch_types=[
            pltpu.VMEM((TPW,), jnp.int32),
            pltpu.VMEM((TPW,), jnp.int32),
            pltpu.VMEM((TPW, D_MODEL), jnp.float32),
            pltpu.VMEM((TPW, D_MODEL), jnp.float32),
            pltpu.SemaphoreType.DMA,
            pltpu.SemaphoreType.DMA,
        ],
    )
    return scatter_x, gather_out


def _router_call(x, W_gate):
    return pl.pallas_call(
        _router_kernel,
        out_shape=[
            jax.ShapeDtypeStruct((T, 8), jnp.int32),
            jax.ShapeDtypeStruct((T, 8), jnp.float32),
            jax.ShapeDtypeStruct((8, 128), jnp.int32),
        ],
    )(x, W_gate)


def _gmm_call(gid, sid, starts, counts, x_sorted, w1, w3, w2):
    grid_spec = pltpu.PrefetchScalarGridSpec(
        num_scalar_prefetch=4,
        grid=(S,),
        in_specs=[
            pl.BlockSpec((BM, D_MODEL), lambda s, gid, sid, st, ct: (sid[s], 0)),
            pl.BlockSpec((1, D_MODEL, D_FF), lambda s, gid, sid, st, ct: (gid[s], 0, 0)),
            pl.BlockSpec((1, D_MODEL, D_FF), lambda s, gid, sid, st, ct: (gid[s], 0, 0)),
            pl.BlockSpec((1, D_FF, D_MODEL), lambda s, gid, sid, st, ct: (gid[s], 0, 0)),
        ],
        out_specs=pl.BlockSpec((BM, D_MODEL), lambda s, gid, sid, st, ct: (sid[s], 0)),
    )
    return pl.pallas_call(
        _gmm_kernel,
        out_shape=jax.ShapeDtypeStruct((RP, D_MODEL), jnp.float32),
        grid_spec=grid_spec,
        compiler_params=pltpu.CompilerParams(
            dimension_semantics=("arbitrary",),
            vmem_limit_bytes=100 * 1024 * 1024,
        ),
    )(gid, sid, starts, counts, x_sorted, w1, w3, w2)


def _combine_call(a, b, wt):
    BT = 512
    return pl.pallas_call(
        _combine_kernel,
        out_shape=jax.ShapeDtypeStruct((T, D_MODEL), jnp.float32),
        grid=(T // BT,),
        in_specs=[
            pl.BlockSpec((BT, D_MODEL), lambda i: (i, 0)),
            pl.BlockSpec((BT, D_MODEL), lambda i: (i, 0)),
            pl.BlockSpec((BT, 8), lambda i: (i, 0)),
        ],
        out_specs=pl.BlockSpec((BT, D_MODEL), lambda i: (i, 0)),
    )(a, b, wt)


def kernel(x, W_gate, w1, w2, w3):
    di, wt, meta = _router_call(x, W_gate)
    d_hi = di[:, 0]
    d_lo = di[:, 1]
    starts = meta[0, :E]
    counts = meta[1, :E]
    sid = meta[2, :S]
    gid = meta[3, :S]
    scatter_x, gather_out = _sc_kernels()
    x_sorted = scatter_x(x, d_hi, d_lo)
    out_sort = _gmm_call(gid, sid, starts, counts, x_sorted, w1, w3, w2)
    a, b = gather_out(out_sort, d_hi, d_lo)
    return _combine_call(a, b, wt)

# --- scband reference (transcript-rebuilt; emitter-appended) ---
"""Pipeline reference for scband-mixtral-sparse-moe-block-23261542875579 (READ-ONLY COPY).

The authoritative reference and input builder live on the scoring server;
editing this copy changes nothing except your own understanding.
"""

import jax, jax.numpy as jnp
import numpy as np

E = 64
TOP_K = 2
D_MODEL = 768
D_FF = 2048
TOKENS = 2048


def setup_inputs(seed: int = 0) -> dict:
    key = jax.random.key(seed)
    ks = jax.random.split(key, 5)
    x = jax.random.normal(ks[0], (TOKENS, D_MODEL), dtype=jnp.float32)
    W_gate = jax.random.normal(ks[1], (D_MODEL, E), dtype=jnp.float32) * 0.02
    w1 = jax.random.normal(ks[2], (E, D_MODEL, D_FF), dtype=jnp.float32) * 0.02
    w3 = jax.random.normal(ks[3], (E, D_MODEL, D_FF), dtype=jnp.float32) * 0.02
    w2 = jax.random.normal(ks[4], (E, D_FF, D_MODEL), dtype=jnp.float32) * 0.02
    return {"x": x, "W_gate": W_gate, "w1": w1, "w2": w2, "w3": w3}


def reference(x, W_gate, w1, w2, w3):
    T = x.shape[0]
    # router
    router_logits = x @ W_gate                      # [T, E]
    router_probs = jax.nn.softmax(router_logits, axis=-1)
    topk_w, topk_idx = jax.lax.top_k(router_probs, TOP_K)   # [T, K]
    topk_w = topk_w / topk_w.sum(axis=-1, keepdims=True)
    # permute: sort token-replicas by expert id
    idx_flat = topk_idx.reshape(-1)                 # [T*K]
    sort_idx = jnp.argsort(idx_flat)                # [T*K]
    x_rep_sort = jnp.take(x, sort_idx // TOP_K, axis=0)      # [T*K, D_MODEL]
    group_sizes = jnp.bincount(idx_flat, length=E).astype(jnp.int32)  # [E]
    # grouped expert MLP (MoELinear == ragged grouped GEMM): w2(silu(w1(x)) * w3(x))
    h = jax.lax.ragged_dot(x_rep_sort, w1, group_sizes)      # [T*K, D_FF]
    g = jax.lax.ragged_dot(x_rep_sort, w3, group_sizes)      # [T*K, D_FF]
    h = jax.nn.silu(h) * g
    out_sort = jax.lax.ragged_dot(h, w2, group_sizes)        # [T*K, D_MODEL]
    # unpermute
    inv_sort_idx = jnp.argsort(sort_idx)
    out_rep = jnp.take(out_sort, inv_sort_idx, axis=0).reshape(T, TOP_K, D_MODEL)
    out = jnp.einsum("tkd,tk->td", out_rep, topk_w)          # [T, D_MODEL]
    return out

if __name__ == "__main__":
    import jax
    _d = setup_inputs()
    print(jax.jit(kernel)(*tuple(_d.values())))

</pallas_src>

<mosaic_0001>
#map = affine_map<(d0, d1) -> (0, 0)>
#map1 = affine_map<(d0, d1) -> (0)>
module attributes {stable_mosaic.version = 14 : i64} {
  func.func @_scatter_x_body(%arg0: i32, %arg1: i32, %arg2: memref<2048x768xf32, #tpu.memory_space<hbm>>, %arg3: memref<2048xi32, #tpu.memory_space<hbm>>, %arg4: memref<2048xi32, #tpu.memory_space<hbm>>, %arg5: memref<12288x768xf32, #tpu.memory_space<hbm>>, %arg6: memref<64xi32, #tpu.memory_space<vmem>>, %arg7: memref<64xi32, #tpu.memory_space<vmem>>, %arg8: memref<64x768xf32, #tpu.memory_space<vmem>>, %arg9: memref<!tpu.dma_semaphore, #tpu.memory_space<semaphore_mem>>, %arg10: memref<!tpu.dma_semaphore, #tpu.memory_space<semaphore_mem>>) attributes {dimension_semantics = [#tpu.dimension_semantics<core_parallel>, #tpu.dimension_semantics<subcore_parallel>], iteration_bounds = array<i64: 2, 16>, scalar_prefetch = 0 : i64, scratch_operands = 5 : i64, tpu.core_type = #tpu.core_type<sc_vector_subcore>, window_params = [{transform_indices = #map}, {transform_indices = #map1}, {transform_indices = #map1}, {transform_indices = #map}]} {
    %mul3A = arith.constant 2 : i32
    %mul3A_0 = arith.muli %arg1, %mul3A : i32
    %add3A = arith.addi %mul3A_0, %arg0 : i32
    %mul3A_1 = arith.constant 64 : i32
    %mul3A_2 = arith.muli %add3A, %mul3A_1 : i32
    "tpu.region"() ({
      %run_scoped3A = tpu.sem_alloc : memref<!tpu.dma_semaphore, #tpu.memory_space<semaphore_mem>>
      %dma_start3A_13 = arith.constant 0 : i32
      %dma_start3A_14 = tpu.memref_slice %arg2[%mul3A_2, %dma_start3A_13] : memref<2048x768xf32, #tpu.memory_space<hbm>> -> memref<64x768xf32, #tpu.memory_space<hbm>>
      %dma_start3A_15 = arith.constant 0 : i32
      %dma_start3A_16 = tpu.memref_slice %arg2[%mul3A_2, %dma_start3A_15] : memref<2048x768xf32, #tpu.memory_space<hbm>> -> memref<64x768xf32, #tpu.memory_space<hbm>>
      tpu.enqueue_dma source(%dma_start3A_16 : memref<64x768xf32, #tpu.memory_space<hbm>>) target(%arg8 : memref<64x768xf32, #tpu.memory_space<vmem>>) target_semaphore(%run_scoped3A : memref<!tpu.dma_semaphore, #tpu.memory_space<semaphore_mem>>)
      %dma_wait3A_17 = arith.constant 0 : i32
      %dma_wait3A_18 = tpu.memref_slice %arg2[%mul3A_2, %dma_wait3A_17] : memref<2048x768xf32, #tpu.memory_space<hbm>> -> memref<64x768xf32, #tpu.memory_space<hbm>>
      %dma_wait3A_19 = arith.constant 0 : i32
      %dma_wait3A_20 = tpu.memref_slice %arg2[%mul3A_2, %dma_wait3A_19] : memref<2048x768xf32, #tpu.memory_space<hbm>> -> memref<64x768xf32, #tpu.memory_space<hbm>>
      tpu.wait_dma2 semaphore(%run_scoped3A : memref<!tpu.dma_semaphore, #tpu.memory_space<semaphore_mem>>) src(%dma_wait3A_20 : memref<64x768xf32, #tpu.memory_space<hbm>>) dst(%arg8 : memref<64x768xf32, #tpu.memory_space<vmem>>)
      tpu.yield
    }) : () -> ()
    "tpu.region"() ({
      %run_scoped3A = tpu.sem_alloc : memref<!tpu.dma_semaphore, #tpu.memory_space<semaphore_mem>>
      %dma_start3A_13 = tpu.memref_slice %arg3[%mul3A_2] : memref<2048xi32, #tpu.memory_space<hbm>> -> memref<64xi32, #tpu.memory_space<hbm>>
      %dma_start3A_14 = tpu.memref_slice %arg3[%mul3A_2] : memref<2048xi32, #tpu.memory_space<hbm>> -> memref<64xi32, #tpu.memory_space<hbm>>
      tpu.enqueue_dma source(%dma_start3A_14 : memref<64xi32, #tpu.memory_space<hbm>>) target(%arg6 : memref<64xi32, #tpu.memory_space<vmem>>) target_semaphore(%run_scoped3A : memref<!tpu.dma_semaphore, #tpu.memory_space<semaphore_mem>>)
      %dma_wait3A_15 = tpu.memref_slice %arg3[%mul3A_2] : memref<2048xi32, #tpu.memory_space<hbm>> -> memref<64xi32, #tpu.memory_space<hbm>>
      %dma_wait3A_16 = tpu.memref_slice %arg3[%mul3A_2] : memref<2048xi32, #tpu.memory_space<hbm>> -> memref<64xi32, #tpu.memory_space<hbm>>
      tpu.wait_dma2 semaphore(%run_scoped3A : memref<!tpu.dma_semaphore, #tpu.memory_space<semaphore_mem>>) src(%dma_wait3A_16 : memref<64xi32, #tpu.memory_space<hbm>>) dst(%arg6 : memref<64xi32, #tpu.memory_space<vmem>>)
      tpu.yield
    }) : () -> ()
    "tpu.region"() ({
      %run_scoped3A = tpu.sem_alloc : memref<!tpu.dma_semaphore, #tpu.memory_space<semaphore_mem>>
      %dma_start3A_13 = tpu.memref_slice %arg4[%mul3A_2] : memref<2048xi32, #tpu.memory_space<hbm>> -> memref<64xi32, #tpu.memory_space<hbm>>
      %dma_start3A_14 = tpu.memref_slice %arg4[%mul3A_2] : memref<2048xi32, #tpu.memory_space<hbm>> -> memref<64xi32, #tpu.memory_space<hbm>>
      tpu.enqueue_dma source(%dma_start3A_14 : memref<64xi32, #tpu.memory_space<hbm>>) target(%arg7 : memref<64xi32, #tpu.memory_space<vmem>>) target_semaphore(%run_scoped3A : memref<!tpu.dma_semaphore, #tpu.memory_space<semaphore_mem>>)
      %dma_wait3A_15 = tpu.memref_slice %arg4[%mul3A_2] : memref<2048xi32, #tpu.memory_space<hbm>> -> memref<64xi32, #tpu.memory_space<hbm>>
      %dma_wait3A_16 = tpu.memref_slice %arg4[%mul3A_2] : memref<2048xi32, #tpu.memory_space<hbm>> -> memref<64xi32, #tpu.memory_space<hbm>>
      tpu.wait_dma2 semaphore(%run_scoped3A : memref<!tpu.dma_semaphore, #tpu.memory_space<semaphore_mem>>) src(%dma_wait3A_16 : memref<64xi32, #tpu.memory_space<hbm>>) dst(%arg7 : memref<64xi32, #tpu.memory_space<vmem>>)
      tpu.yield
    }) : () -> ()
    %dma_start3A = arith.constant 0 : i32
    %dma_start3A_3 = arith.constant 0 : i32
    %dma_start3A_4 = tpu.memref_slice %arg5[%dma_start3A, %dma_start3A_3] : memref<12288x768xf32, #tpu.memory_space<hbm>> -> memref<12288x768xf32, #tpu.memory_space<hbm>>
    tpu.enqueue_indirect_dma source(%arg8 : memref<64x768xf32, #tpu.memory_space<vmem>>) target(%dma_start3A_4 : memref<12288x768xf32, #tpu.memory_space<hbm>>) offsets(%arg6 : memref<64xi32, #tpu.memory_space<vmem>>) semaphore(%arg9 : memref<!tpu.dma_semaphore, #tpu.memory_space<semaphore_mem>>)
    %dma_start3A_5 = arith.constant 0 : i32
    %dma_start3A_6 = arith.constant 0 : i32
    %dma_start3A_7 = tpu.memref_slice %arg5[%dma_start3A_5, %dma_start3A_6] : memref<12288x768xf32, #tpu.memory_space<hbm>> -> memref<12288x768xf32, #tpu.memory_space<hbm>>
    tpu.enqueue_indirect_dma source(%arg8 : memref<64x768xf32, #tpu.memory_space<vmem>>) target(%dma_start3A_7 : memref<12288x768xf32, #tpu.memory_space<hbm>>) offsets(%arg7 : memref<64xi32, #tpu.memory_space<vmem>>) semaphore(%arg10 : memref<!tpu.dma_semaphore, #tpu.memory_space<semaphore_mem>>)
    %dma_wait3A = arith.constant 0 : i32
    %dma_wait3A_8 = arith.constant 0 : i32
    %dma_wait3A_9 = tpu.memref_slice %arg5[%dma_wait3A, %dma_wait3A_8] : memref<12288x768xf32, #tpu.memory_space<hbm>> -> memref<12288x768xf32, #tpu.memory_space<hbm>>
    tpu.wait_indirect_dma semaphore(%arg9 : memref<!tpu.dma_semaphore, #tpu.memory_space<semaphore_mem>>) src(%arg8 : memref<64x768xf32, #tpu.memory_space<vmem>>) dst(%dma_wait3A_9 : memref<12288x768xf32, #tpu.memory_space<hbm>>)
    %dma_wait3A_10 = arith.constant 0 : i32
    %dma_wait3A_11 = arith.constant 0 : i32
    %dma_wait3A_12 = tpu.memref_slice %arg5[%dma_wait3A_10, %dma_wait3A_11] : memref<12288x768xf32, #tpu.memory_space<hbm>> -> memref<12288x768xf32, #tpu.memory_space<hbm>>
    tpu.wait_indirect_dma semaphore(%arg10 : memref<!tpu.dma_semaphore, #tpu.memory_space<semaphore_mem>>) src(%arg8 : memref<64x768xf32, #tpu.memory_space<vmem>>) dst(%dma_wait3A_12 : memref<12288x768xf32, #tpu.memory_space<hbm>>)
    return
  }
}

#map = affine_map<(d0, d1) -> (0, 0)>
#map1 = affine_map<(d0, d1) -> (0)>
module attributes {stable_mosaic.version = 14 : i64} {
  func.func @_gather_out_body(%arg0: i32, %arg1: i32, %arg2: memref<12288x768xf32, #tpu.memory_space<hbm>>, %arg3: memref<2048xi32, #tpu.memory_space<hbm>>, %arg4: memref<2048xi32, #tpu.memory_space<hbm>>, %arg5: memref<2048x768xf32, #tpu.memory_space<hbm>>, %arg6: memref<2048x768xf32, #tpu.memory_space<hbm>>, %arg7: memref<64xi32, #tpu.memory_space<vmem>>, %arg8: memref<64xi32, #tpu.memory_space<vmem>>, %arg9: memref<64x768xf32, #tpu.memory_space<vmem>>, %arg10: memref<64x768xf32, #tpu.memory_space<vmem>>, %arg11: memref<!tpu.dma_semaphore, #tpu.memory_space<semaphore_mem>>, %arg12: memref<!tpu.dma_semaphore, #tpu.memory_space<semaphore_mem>>) attributes {dimension_semantics = [#tpu.dimension_semantics<core_parallel>, #tpu.dimension_semantics<subcore_parallel>], iteration_bounds = array<i64: 2, 16>, scalar_prefetch = 0 : i64, scratch_operands = 6 : i64, tpu.core_type = #tpu.core_type<sc_vector_subcore>, window_params = [{transform_indices = #map}, {transform_indices = #map1}, {transform_indices = #map1}, {transform_indices = #map}, {transform_indices = #map}]} {
    %mul3A = arith.constant 2 : i32
    %mul3A_0 = arith.muli %arg1, %mul3A : i32
    %add3A = arith.addi %mul3A_0, %arg0 : i32
    %mul3A_1 = arith.constant 64 : i32
    %mul3A_2 = arith.muli %add3A, %mul3A_1 : i32
    "tpu.region"() ({
      %run_scoped3A = tpu.sem_alloc : memref<!tpu.dma_semaphore, #tpu.memory_space<semaphore_mem>>
      %dma_start3A_13 = tpu.memref_slice %arg3[%mul3A_2] : memref<2048xi32, #tpu.memory_space<hbm>> -> memref<64xi32, #tpu.memory_space<hbm>>
      %dma_start3A_14 = tpu.memref_slice %arg3[%mul3A_2] : memref<2048xi32, #tpu.memory_space<hbm>> -> memref<64xi32, #tpu.memory_space<hbm>>
      tpu.enqueue_dma source(%dma_start3A_14 : memref<64xi32, #tpu.memory_space<hbm>>) target(%arg7 : memref<64xi32, #tpu.memory_space<vmem>>) target_semaphore(%run_scoped3A : memref<!tpu.dma_semaphore, #tpu.memory_space<semaphore_mem>>)
      %dma_wait3A_15 = tpu.memref_slice %arg3[%mul3A_2] : memref<2048xi32, #tpu.memory_space<hbm>> -> memref<64xi32, #tpu.memory_space<hbm>>
      %dma_wait3A_16 = tpu.memref_slice %arg3[%mul3A_2] : memref<2048xi32, #tpu.memory_space<hbm>> -> memref<64xi32, #tpu.memory_space<hbm>>
      tpu.wait_dma2 semaphore(%run_scoped3A : memref<!tpu.dma_semaphore, #tpu.memory_space<semaphore_mem>>) src(%dma_wait3A_16 : memref<64xi32, #tpu.memory_space<hbm>>) dst(%arg7 : memref<64xi32, #tpu.memory_space<vmem>>)
      tpu.yield
    }) : () -> ()
    "tpu.region"() ({
      %run_scoped3A = tpu.sem_alloc : memref<!tpu.dma_semaphore, #tpu.memory_space<semaphore_mem>>
      %dma_start3A_13 = tpu.memref_slice %arg4[%mul3A_2] : memref<2048xi32, #tpu.memory_space<hbm>> -> memref<64xi32, #tpu.memory_space<hbm>>
      %dma_start3A_14 = tpu.memref_slice %arg4[%mul3A_2] : memref<2048xi32, #tpu.memory_space<hbm>> -> memref<64xi32, #tpu.memory_space<hbm>>
      tpu.enqueue_dma source(%dma_start3A_14 : memref<64xi32, #tpu.memory_space<hbm>>) target(%arg8 : memref<64xi32, #tpu.memory_space<vmem>>) target_semaphore(%run_scoped3A : memref<!tpu.dma_semaphore, #tpu.memory_space<semaphore_mem>>)
      %dma_wait3A_15 = tpu.memref_slice %arg4[%mul3A_2] : memref<2048xi32, #tpu.memory_space<hbm>> -> memref<64xi32, #tpu.memory_space<hbm>>
      %dma_wait3A_16 = tpu.memref_slice %arg4[%mul3A_2] : memref<2048xi32, #tpu.memory_space<hbm>> -> memref<64xi32, #tpu.memory_space<hbm>>
      tpu.wait_dma2 semaphore(%run_scoped3A : memref<!tpu.dma_semaphore, #tpu.memory_space<semaphore_mem>>) src(%dma_wait3A_16 : memref<64xi32, #tpu.memory_space<hbm>>) dst(%arg8 : memref<64xi32, #tpu.memory_space<vmem>>)
      tpu.yield
    }) : () -> ()
    %dma_start3A = arith.constant 0 : i32
    %dma_start3A_3 = arith.constant 0 : i32
    %dma_start3A_4 = tpu.memref_slice %arg2[%dma_start3A, %dma_start3A_3] : memref<12288x768xf32, #tpu.memory_space<hbm>> -> memref<12288x768xf32, #tpu.memory_space<hbm>>
    tpu.enqueue_indirect_dma source(%dma_start3A_4 : memref<12288x768xf32, #tpu.memory_space<hbm>>) target(%arg9 : memref<64x768xf32, #tpu.memory_space<vmem>>) offsets(%arg7 : memref<64xi32, #tpu.memory_space<vmem>>) semaphore(%arg11 : memref<!tpu.dma_semaphore, #tpu.memory_space<semaphore_mem>>)
    %dma_start3A_5 = arith.constant 0 : i32
    %dma_start3A_6 = arith.constant 0 : i32
    %dma_start3A_7 = tpu.memref_slice %arg2[%dma_start3A_5, %dma_start3A_6] : memref<12288x768xf32, #tpu.memory_space<hbm>> -> memref<12288x768xf32, #tpu.memory_space<hbm>>
    tpu.enqueue_indirect_dma source(%dma_start3A_7 : memref<12288x768xf32, #tpu.memory_space<hbm>>) target(%arg10 : memref<64x768xf32, #tpu.memory_space<vmem>>) offsets(%arg8 : memref<64xi32, #tpu.memory_space<vmem>>) semaphore(%arg12 : memref<!tpu.dma_semaphore, #tpu.memory_space<semaphore_mem>>)
    %dma_wait3A = arith.constant 0 : i32
    %dma_wait3A_8 = arith.constant 0 : i32
    %dma_wait3A_9 = tpu.memref_slice %arg2[%dma_wait3A, %dma_wait3A_8] : memref<12288x768xf32, #tpu.memory_space<hbm>> -> memref<12288x768xf32, #tpu.memory_space<hbm>>
    tpu.wait_indirect_dma semaphore(%arg11 : memref<!tpu.dma_semaphore, #tpu.memory_space<semaphore_mem>>) src(%dma_wait3A_9 : memref<12288x768xf32, #tpu.memory_space<hbm>>) dst(%arg9 : memref<64x768xf32, #tpu.memory_space<vmem>>)
    %dma_wait3A_10 = arith.constant 0 : i32
    %dma_wait3A_11 = arith.constant 0 : i32
    %dma_wait3A_12 = tpu.memref_slice %arg2[%dma_wait3A_10, %dma_wait3A_11] : memref<12288x768xf32, #tpu.memory_space<hbm>> -> memref<12288x768xf32, #tpu.memory_space<hbm>>
    tpu.wait_indirect_dma semaphore(%arg12 : memref<!tpu.dma_semaphore, #tpu.memory_space<semaphore_mem>>) src(%dma_wait3A_12 : memref<12288x768xf32, #tpu.memory_space<hbm>>) dst(%arg10 : memref<64x768xf32, #tpu.memory_space<vmem>>)
    "tpu.region"() ({
      %run_scoped3A = tpu.sem_alloc : memref<!tpu.dma_semaphore, #tpu.memory_space<semaphore_mem>>
      %dma_start3A_13 = arith.constant 0 : i32
      %dma_start3A_14 = tpu.memref_slice %arg5[%mul3A_2, %dma_start3A_13] : memref<2048x768xf32, #tpu.memory_space<hbm>> -> memref<64x768xf32, #tpu.memory_space<hbm>>
      %dma_start3A_15 = arith.constant 0 : i32
      %dma_start3A_16 = tpu.memref_slice %arg5[%mul3A_2, %dma_start3A_15] : memref<2048x768xf32, #tpu.memory_space<hbm>> -> memref<64x768xf32, #tpu.memory_space<hbm>>
      tpu.enqueue_dma source(%arg9 : memref<64x768xf32, #tpu.memory_space<vmem>>) target(%dma_start3A_16 : memref<64x768xf32, #tpu.memory_space<hbm>>) target_semaphore(%run_scoped3A : memref<!tpu.dma_semaphore, #tpu.memory_space<semaphore_mem>>)
      %dma_wait3A_17 = arith.constant 0 : i32
      %dma_wait3A_18 = tpu.memref_slice %arg5[%mul3A_2, %dma_wait3A_17] : memref<2048x768xf32, #tpu.memory_space<hbm>> -> memref<64x768xf32, #tpu.memory_space<hbm>>
      %dma_wait3A_19 = arith.constant 0 : i32
      %dma_wait3A_20 = tpu.memref_slice %arg5[%mul3A_2, %dma_wait3A_19] : memref<2048x768xf32, #tpu.memory_space<hbm>> -> memref<64x768xf32, #tpu.memory_space<hbm>>
      tpu.wait_dma2 semaphore(%run_scoped3A : memref<!tpu.dma_semaphore, #tpu.memory_space<semaphore_mem>>) src(%arg9 : memref<64x768xf32, #tpu.memory_space<vmem>>) dst(%dma_wait3A_20 : memref<64x768xf32, #tpu.memory_space<hbm>>)
      tpu.yield
    }) : () -> ()
    "tpu.region"() ({
      %run_scoped3A = tpu.sem_alloc : memref<!tpu.dma_semaphore, #tpu.memory_space<semaphore_mem>>
      %dma_start3A_13 = arith.constant 0 : i32
      %dma_start3A_14 = tpu.memref_slice %arg6[%mul3A_2, %dma_start3A_13] : memref<2048x768xf32, #tpu.memory_space<hbm>> -> memref<64x768xf32, #tpu.memory_space<hbm>>
      %dma_start3A_15 = arith.constant 0 : i32
      %dma_start3A_16 = tpu.memref_slice %arg6[%mul3A_2, %dma_start3A_15] : memref<2048x768xf32, #tpu.memory_space<hbm>> -> memref<64x768xf32, #tpu.memory_space<hbm>>
      tpu.enqueue_dma source(%arg10 : memref<64x768xf32, #tpu.memory_space<vmem>>) target(%dma_start3A_16 : memref<64x768xf32, #tpu.memory_space<hbm>>) target_semaphore(%run_scoped3A : memref<!tpu.dma_semaphore, #tpu.memory_space<semaphore_mem>>)
      %dma_wait3A_17 = arith.constant 0 : i32
      %dma_wait3A_18 = tpu.memref_slice %arg6[%mul3A_2, %dma_wait3A_17] : memref<2048x768xf32, #tpu.memory_space<hbm>> -> memref<64x768xf32, #tpu.memory_space<hbm>>
      %dma_wait3A_19 = arith.constant 0 : i32
      %dma_wait3A_20 = tpu.memref_slice %arg6[%mul3A_2, %dma_wait3A_19] : memref<2048x768xf32, #tpu.memory_space<hbm>> -> memref<64x768xf32, #tpu.memory_space<hbm>>
      tpu.wait_dma2 semaphore(%run_scoped3A : memref<!tpu.dma_semaphore, #tpu.memory_space<semaphore_mem>>) src(%arg10 : memref<64x768xf32, #tpu.memory_space<vmem>>) dst(%dma_wait3A_20 : memref<64x768xf32, #tpu.memory_space<hbm>>)
      tpu.yield
    }) : () -> ()
    return
  }
}

module attributes {stable_mosaic.version = 14 : i64} {
  func.func @_router_kernel(%arg0: memref<2048x768xf32, #tpu.memory_space<vmem>>, %arg1: memref<768x64xf32, #tpu.memory_space<vmem>>, %arg2: memref<2048x8xi32, #tpu.memory_space<vmem>>, %arg3: memref<2048x8xf32, #tpu.memory_space<vmem>>, %arg4: memref<8x128xi32, #tpu.memory_space<vmem>>) attributes {dimension_semantics = [], scalar_prefetch = 0 : i64, scratch_operands = 0 : i64, tpu.core_type = #tpu.core_type<tc>} {
    %get3A = arith.constant 0 : index
    %get3A_0 = arith.constant 0 : index
    %get3A_1 = vector.load %arg0[%get3A, %get3A_0] : memref<2048x768xf32, #tpu.memory_space<vmem>>, vector<2048x768xf32>
    %get3A_2 = arith.constant 0 : index
    %get3A_3 = arith.constant 0 : index
    %get3A_4 = vector.load %arg1[%get3A_2, %get3A_3] : memref<768x64xf32, #tpu.memory_space<vmem>>, vector<768x64xf32>
    %dot_general3A = arith.constant dense<0.000000e+00> : vector<2048x64xf32>
    %dot_general3A_5 = tpu.matmul %get3A_1, %get3A_4, %dot_general3A {dimension_numbers = #tpu.dot_dimension_numbers<[1], [0], [0], [1], [0, 0, 1, 1], [], []>, transpose_lhs_hint = false} : vector<2048x768xf32>, vector<768x64xf32>, vector<2048x64xf32> -> vector<2048x64xf32>
    %iota3A = tpu.iota {dimensions = array<i32: 1>} : vector<2048x64xi32>
    %convert_element_type3A = arith.sitofp %iota3A : vector<2048x64xi32> to vector<2048x64xf32>
    %reduce_max3A = arith.constant dense<0xFF800000> : vector<2048xf32>
    %reduce_max3A_6 = vector.multi_reduction <maximumf>, %dot_general3A_5, %reduce_max3A [1] : vector<2048x64xf32> to vector<2048xf32>
    %broadcast_in_dim3A = vector.shape_cast %reduce_max3A_6 : vector<2048xf32> to vector<2048x1xf32>
    %eq3A = vector.broadcast %broadcast_in_dim3A : vector<2048x1xf32> to vector<2048x64xf32>
    %eq3A_7 = arith.cmpf oeq, %dot_general3A_5, %eq3A : vector<2048x64xf32>
    %jit3A = arith.constant 6.400000e+01 : f32
    %broadcast_in_dim3A_8 = vector.broadcast %jit3A : f32 to vector<2048x64xf32>
    %select_n3A = arith.select %eq3A_7, %convert_element_type3A, %broadcast_in_dim3A_8 : vector<2048x64xi1>, vector<2048x64xf32>
    %reduce_min3A = arith.constant dense<0x7F800000> : vector<2048xf32>
    %reduce_min3A_9 = vector.multi_reduction <minimumf>, %select_n3A, %reduce_min3A [1] : vector<2048x64xf32> to vector<2048xf32>
    %broadcast_in_dim3A_10 = vector.shape_cast %reduce_min3A_9 : vector<2048xf32> to vector<2048x1xf32>
    %eq3A_11 = vector.broadcast %broadcast_in_dim3A_10 : vector<2048x1xf32> to vector<2048x64xf32>
    %eq3A_12 = arith.cmpf oeq, %convert_element_type3A, %eq3A_11 : vector<2048x64xf32>
    %jit3A_13 = arith.constant 0xFF800000 : f32
    %broadcast_in_dim3A_14 = vector.broadcast %jit3A_13 : f32 to vector<2048x64xf32>
    %select_n3A_15 = arith.select %eq3A_12, %broadcast_in_dim3A_14, %dot_general3A_5 : vector<2048x64xi1>, vector<2048x64xf32>
    %reduce_max3A_16 = arith.constant dense<0xFF800000> : vector<2048xf32>
    %reduce_max3A_17 = vector.multi_reduction <maximumf>, %select_n3A_15, %reduce_max3A_16 [1] : vector<2048x64xf32> to vector<2048xf32>
    %broadcast_in_dim3A_18 = vector.shape_cast %reduce_max3A_17 : vector<2048xf32> to vector<2048x1xf32>
    %eq3A_19 = vector.broadcast %broadcast_in_dim3A_18 : vector<2048x1xf32> to vector<2048x64xf32>
    %eq3A_20 = arith.cmpf oeq, %select_n3A_15, %eq3A_19 : vector<2048x64xf32>
    %jit3A_21 = arith.constant 6.400000e+01 : f32
    %broadcast_in_dim3A_22 = vector.broadcast %jit3A_21 : f32 to vector<2048x64xf32>
    %select_n3A_23 = arith.select %eq3A_20, %convert_element_type3A, %broadcast_in_dim3A_22 : vector<2048x64xi1>, vector<2048x64xf32>
    %reduce_min3A_24 = arith.constant dense<0x7F800000> : vector<2048xf32>
    %reduce_min3A_25 = vector.multi_reduction <minimumf>, %select_n3A_23, %reduce_min3A_24 [1] : vector<2048x64xf32> to vector<2048xf32>
    %broadcast_in_dim3A_26 = vector.shape_cast %reduce_min3A_25 : vector<2048xf32> to vector<2048x1xf32>
    %sub3A = arith.subf %broadcast_in_dim3A_18, %broadcast_in_dim3A : vector<2048x1xf32>
    %exp3A = math.exp %sub3A : vector<2048x1xf32>
    %add3A = arith.constant 1.000000e+00 : f32
    %add3A_27 = vector.broadcast %add3A : f32 to vector<2048x1xf32>
    %add3A_28 = arith.addf %add3A_27, %exp3A : vector<2048x1xf32>
    %div3A = arith.constant 1.000000e+00 : f32
    %div3A_29 = vector.broadcast %div3A : f32 to vector<2048x1xf32>
    %div3A_30 = arith.divf %div3A_29, %add3A_28 : vector<2048x1xf32>
    %add3A_31 = arith.constant 1.000000e+00 : f32
    %add3A_32 = vector.broadcast %add3A_31 : f32 to vector<2048x1xf32>
    %add3A_33 = arith.addf %add3A_32, %exp3A : vector<2048x1xf32>
    %div3A_34 = arith.divf %exp3A, %add3A_33 : vector<2048x1xf32>
    %eq3A_35 = vector.broadcast %broadcast_in_dim3A_10 : vector<2048x1xf32> to vector<2048x64xf32>
    %eq3A_36 = arith.cmpf oeq, %convert_element_type3A, %eq3A_35 : vector<2048x64xf32>
    %convert_element_type3A_37 = arith.extui %eq3A_36 : vector<2048x64xi1> to vector<2048x64xi32>
    %convert_element_type3A_38 = arith.sitofp %convert_element_type3A_37 : vector<2048x64xi32> to vector<2048x64xf32>
    %eq3A_39 = vector.broadcast %broadcast_in_dim3A_26 : vector<2048x1xf32> to vector<2048x64xf32>
    %eq3A_40 = arith.cmpf oeq, %convert_element_type3A, %eq3A_39 : vector<2048x64xf32>
    %convert_element_type3A_41 = arith.extui %eq3A_40 : vector<2048x64xi1> to vector<2048x64xi32>
    %convert_element_type3A_42 = arith.sitofp %convert_element_type3A_41 : vector<2048x64xi32> to vector<2048x64xf32>
    %add3A_43 = arith.addf %convert_element_type3A_38, %convert_element_type3A_42 : vector<2048x64xf32>
    %reduce_sum3A = arith.constant dense<0.000000e+00> : vector<64xf32>
    %reduce_sum3A_44 = vector.multi_reduction <add>, %add3A_43, %reduce_sum3A [0] : vector<2048x64xf32> to vector<64xf32>
    %broadcast_in_dim3A_45 = vector.shape_cast %reduce_sum3A_44 : vector<64xf32> to vector<1x64xf32>
    %broadcast_in_dim3A_46 = arith.constant 1.000000e+00 : f32
    %broadcast_in_dim3A_47 = vector.broadcast %broadcast_in_dim3A_46 : f32 to vector<2048x1xf32>
    %dot_general3A_48 = arith.constant dense<0.000000e+00> : vector<64x1xf32>
    %dot_general3A_49 = tpu.matmul %add3A_43, %broadcast_in_dim3A_47, %dot_general3A_48 {dimension_numbers = #tpu.dot_dimension_numbers<[0], [0], [1], [1], [0, 1, 1, 1], [], []>, transpose_lhs_hint = false} : vector<2048x64xf32>, vector<2048x1xf32>, vector<64x1xf32> -> vector<64x1xf32>
    %add3A_50 = arith.constant 1.270000e+02 : f32
    %add3A_51 = vector.broadcast %add3A_50 : f32 to vector<1x64xf32>
    %add3A_52 = arith.addf %broadcast_in_dim3A_45, %add3A_51 : vector<1x64xf32>
    %mul3A = arith.constant 7.812500e-03 : f32
    %mul3A_53 = vector.broadcast %mul3A : f32 to vector<1x64xf32>
    %mul3A_54 = arith.mulf %add3A_52, %mul3A_53 : vector<1x64xf32>
    %floor3A = math.floor %mul3A_54 : vector<1x64xf32>
    %add3A_55 = arith.constant 1.270000e+02 : f32
    %add3A_56 = vector.broadcast %add3A_55 : f32 to vector<64x1xf32>
    %add3A_57 = arith.addf %dot_general3A_49, %add3A_56 : vector<64x1xf32>
    %mul3A_58 = arith.constant 7.812500e-03 : f32
    %mul3A_59 = vector.broadcast %mul3A_58 : f32 to vector<64x1xf32>
    %mul3A_60 = arith.mulf %add3A_57, %mul3A_59 : vector<64x1xf32>
    %floor3A_61 = math.floor %mul3A_60 : vector<64x1xf32>
    %iota3A_62 = tpu.iota {dimensions = array<i32: 0>} : vector<64x64xi32>
    %convert_element_type3A_63 = arith.sitofp %iota3A_62 : vector<64x64xi32> to vector<64x64xf32>
    %iota3A_64 = tpu.iota {dimensions = array<i32: 1>} : vector<64x64xi32>
    %convert_element_type3A_65 = arith.sitofp %iota3A_64 : vector<64x64xi32> to vector<64x64xf32>
    %lt3A = arith.cmpf olt, %convert_element_type3A_63, %convert_element_type3A_65 : vector<64x64xf32>
    %convert_element_type3A_66 = arith.extui %lt3A : vector<64x64xi1> to vector<64x64xi32>
    %convert_element_type3A_67 = arith.sitofp %convert_element_type3A_66 : vector<64x64xi32> to vector<64x64xf32>
    %gt3A = arith.cmpf ogt, %convert_element_type3A_63, %convert_element_type3A_65 : vector<64x64xf32>
    %convert_element_type3A_68 = arith.extui %gt3A : vector<64x64xi1> to vector<64x64xi32>
    %convert_element_type3A_69 = arith.sitofp %convert_element_type3A_68 : vector<64x64xi32> to vector<64x64xf32>
    %dot_general3A_70 = arith.constant dense<0.000000e+00> : vector<1x64xf32>
    %dot_general3A_71 = tpu.matmul %floor3A, %convert_element_type3A_67, %dot_general3A_70 {dimension_numbers = #tpu.dot_dimension_numbers<[1], [0], [0], [1], [0, 0, 1, 1], [], []>, transpose_lhs_hint = false} : vector<1x64xf32>, vector<64x64xf32>, vector<1x64xf32> -> vector<1x64xf32>
    %dot_general3A_72 = arith.constant dense<0.000000e+00> : vector<64x1xf32>
    %dot_general3A_73 = tpu.matmul %convert_element_type3A_69, %floor3A_61, %dot_general3A_72 {dimension_numbers = #tpu.dot_dimension_numbers<[1], [0], [0], [1], [0, 0, 1, 1], [], []>, transpose_lhs_hint = false} : vector<64x64xf32>, vector<64x1xf32>, vector<64x1xf32> -> vector<64x1xf32>
    %mul3A_74 = arith.constant 1.280000e+02 : f32
    %mul3A_75 = vector.broadcast %mul3A_74 : f32 to vector<1x64xf32>
    %mul3A_76 = arith.mulf %mul3A_75, %dot_general3A_71 : vector<1x64xf32>
    %reduce_sum3A_77 = arith.constant dense<0.000000e+00> : vector<1xf32>
    %reduce_sum3A_78 = vector.multi_reduction <add>, %floor3A, %reduce_sum3A_77 [1] : vector<1x64xf32> to vector<1xf32>
    %broadcast_in_dim3A_79 = vector.shape_cast %reduce_sum3A_78 : vector<1xf32> to vector<1x1xf32>
    %iota3A_80 = tpu.iota {dimensions = array<i32: 1>} : vector<1x128xi32>
    %convert_element_type3A_81 = arith.sitofp %iota3A_80 : vector<1x128xi32> to vector<1x128xf32>
    %sub3A_82 = arith.constant 1.000000e+00 : f32
    %sub3A_83 = vector.broadcast %sub3A_82 : f32 to vector<1x1xf32>
    %sub3A_84 = arith.subf %broadcast_in_dim3A_79, %sub3A_83 : vector<1x1xf32>
    %min3A = vector.broadcast %sub3A_84 : vector<1x1xf32> to vector<1x128xf32>
    %min3A_85 = arith.minimumf %convert_element_type3A_81, %min3A : vector<1x128xf32>
    %ge3A = vector.broadcast %min3A_85 : vector<1x128xf32> to vector<64x128xf32>
    %ge3A_86 = vector.broadcast %dot_general3A_73 : vector<64x1xf32> to vector<64x128xf32>
    %ge3A_87 = arith.cmpf oge, %ge3A, %ge3A_86 : vector<64x128xf32>
    %convert_element_type3A_88 = arith.extui %ge3A_87 : vector<64x128xi1> to vector<64x128xi32>
    %convert_element_type3A_89 = arith.sitofp %convert_element_type3A_88 : vector<64x128xi32> to vector<64x128xf32>
    %reduce_sum3A_90 = arith.constant dense<0.000000e+00> : vector<128xf32>
    %reduce_sum3A_91 = vector.multi_reduction <add>, %convert_element_type3A_89, %reduce_sum3A_90 [0] : vector<64x128xf32> to vector<128xf32>
    %broadcast_in_dim3A_92 = vector.shape_cast %reduce_sum3A_91 : vector<128xf32> to vector<1x128xf32>
    %sub3A_93 = arith.constant 1.000000e+00 : f32
    %sub3A_94 = vector.broadcast %sub3A_93 : f32 to vector<1x128xf32>
    %sub3A_95 = arith.subf %broadcast_in_dim3A_92, %sub3A_94 : vector<1x128xf32>
    %iota3A_96 = tpu.iota {dimensions = array<i32: 0>} : vector<512x512xi32>
    %convert_element_type3A_97 = arith.sitofp %iota3A_96 : vector<512x512xi32> to vector<512x512xf32>
    %iota3A_98 = tpu.iota {dimensions = array<i32: 1>} : vector<512x512xi32>
    %convert_element_type3A_99 = arith.sitofp %iota3A_98 : vector<512x512xi32> to vector<512x512xf32>
    %gt3A_100 = arith.cmpf ogt, %convert_element_type3A_97, %convert_element_type3A_99 : vector<512x512xf32>
    %convert_element_type3A_101 = arith.extui %gt3A_100 : vector<512x512xi1> to vector<512x512xi32>
    %convert_element_type3A_102 = arith.sitofp %convert_element_type3A_101 : vector<512x512xi32> to vector<512x512xf32>
    %broadcast_in_dim3A_103 = arith.constant 0.000000e+00 : f32
    %broadcast_in_dim3A_104 = vector.broadcast %broadcast_in_dim3A_103 : f32 to vector<1x64xf32>
    %slice3A = vector.extract_strided_slice %add3A_43 {offsets = [0, 0], sizes = [512, 64], strides = [1, 1]} : vector<2048x64xf32> to vector<512x64xf32>
    %dot_general3A_105 = arith.constant dense<0.000000e+00> : vector<512x64xf32>
    %dot_general3A_106 = tpu.matmul %convert_element_type3A_102, %slice3A, %dot_general3A_105 {dimension_numbers = #tpu.dot_dimension_numbers<[1], [0], [0], [1], [0, 0, 1, 1], [], []>, transpose_lhs_hint = false} : vector<512x512xf32>, vector<512x64xf32>, vector<512x64xf32> -> vector<512x64xf32>
    %add3A_107 = vector.broadcast %broadcast_in_dim3A_104 : vector<1x64xf32> to vector<512x64xf32>
    %add3A_108 = arith.addf %dot_general3A_106, %add3A_107 : vector<512x64xf32>
    %reduce_sum3A_109 = arith.constant dense<0.000000e+00> : vector<64xf32>
    %reduce_sum3A_110 = vector.multi_reduction <add>, %slice3A, %reduce_sum3A_109 [0] : vector<512x64xf32> to vector<64xf32>
    %broadcast_in_dim3A_111 = vector.shape_cast %reduce_sum3A_110 : vector<64xf32> to vector<1x64xf32>
    %add3A_112 = arith.addf %broadcast_in_dim3A_104, %broadcast_in_dim3A_111 : vector<1x64xf32>
    %slice3A_113 = vector.extract_strided_slice %add3A_43 {offsets = [512, 0], sizes = [512, 64], strides = [1, 1]} : vector<2048x64xf32> to vector<512x64xf32>
    %dot_general3A_114 = arith.constant dense<0.000000e+00> : vector<512x64xf32>
    %dot_general3A_115 = tpu.matmul %convert_element_type3A_102, %slice3A_113, %dot_general3A_114 {dimension_numbers = #tpu.dot_dimension_numbers<[1], [0], [0], [1], [0, 0, 1, 1], [], []>, transpose_lhs_hint = false} : vector<512x512xf32>, vector<512x64xf32>, vector<512x64xf32> -> vector<512x64xf32>
    %add3A_116 = vector.broadcast %add3A_112 : vector<1x64xf32> to vector<512x64xf32>
    %add3A_117 = arith.addf %dot_general3A_115, %add3A_116 : vector<512x64xf32>
    %reduce_sum3A_118 = arith.constant dense<0.000000e+00> : vector<64xf32>
    %reduce_sum3A_119 = vector.multi_reduction <add>, %slice3A_113, %reduce_sum3A_118 [0] : vector<512x64xf32> to vector<64xf32>
    %broadcast_in_dim3A_120 = vector.shape_cast %reduce_sum3A_119 : vector<64xf32> to vector<1x64xf32>
    %add3A_121 = arith.addf %add3A_112, %broadcast_in_dim3A_120 : vector<1x64xf32>
    %slice3A_122 = vector.extract_strided_slice %add3A_43 {offsets = [1024, 0], sizes = [512, 64], strides = [1, 1]} : vector<2048x64xf32> to vector<512x64xf32>
    %dot_general3A_123 = arith.constant dense<0.000000e+00> : vector<512x64xf32>
    %dot_general3A_124 = tpu.matmul %convert_element_type3A_102, %slice3A_122, %dot_general3A_123 {dimension_numbers = #tpu.dot_dimension_numbers<[1], [0], [0], [1], [0, 0, 1, 1], [], []>, transpose_lhs_hint = false} : vector<512x512xf32>, vector<512x64xf32>, vector<512x64xf32> -> vector<512x64xf32>
    %add3A_125 = vector.broadcast %add3A_121 : vector<1x64xf32> to vector<512x64xf32>
    %add3A_126 = arith.addf %dot_general3A_124, %add3A_125 : vector<512x64xf32>
    %reduce_sum3A_127 = arith.constant dense<0.000000e+00> : vector<64xf32>
    %reduce_sum3A_128 = vector.multi_reduction <add>, %slice3A_122, %reduce_sum3A_127 [0] : vector<512x64xf32> to vector<64xf32>
    %broadcast_in_dim3A_129 = vector.shape_cast %reduce_sum3A_128 : vector<64xf32> to vector<1x64xf32>
    %add3A_130 = arith.addf %add3A_121, %broadcast_in_dim3A_129 : vector<1x64xf32>
    %slice3A_131 = vector.extract_strided_slice %add3A_43 {offsets = [1536, 0], sizes = [512, 64], strides = [1, 1]} : vector<2048x64xf32> to vector<512x64xf32>
    %dot_general3A_132 = arith.constant dense<0.000000e+00> : vector<512x64xf32>
    %dot_general3A_133 = tpu.matmul %convert_element_type3A_102, %slice3A_131, %dot_general3A_132 {dimension_numbers = #tpu.dot_dimension_numbers<[1], [0], [0], [1], [0, 0, 1, 1], [], []>, transpose_lhs_hint = false} : vector<512x512xf32>, vector<512x64xf32>, vector<512x64xf32> -> vector<512x64xf32>
    %add3A_134 = vector.broadcast %add3A_130 : vector<1x64xf32> to vector<512x64xf32>
    %add3A_135 = arith.addf %dot_general3A_133, %add3A_134 : vector<512x64xf32>
    %concatenate3A = tpu.concatenate %add3A_108, %add3A_117, %add3A_126, %add3A_135 in 0 : vector<512x64xf32>, vector<512x64xf32>, vector<512x64xf32>, vector<512x64xf32> -> vector<2048x64xf32>
    %mul3A_136 = arith.mulf %concatenate3A, %convert_element_type3A_38 : vector<2048x64xf32>
    %reduce_sum3A_137 = arith.constant dense<0.000000e+00> : vector<2048xf32>
    %reduce_sum3A_138 = vector.multi_reduction <add>, %mul3A_136, %reduce_sum3A_137 [1] : vector<2048x64xf32> to vector<2048xf32>
    %broadcast_in_dim3A_139 = vector.shape_cast %reduce_sum3A_138 : vector<2048xf32> to vector<2048x1xf32>
    %mul3A_140 = arith.mulf %concatenate3A, %convert_element_type3A_42 : vector<2048x64xf32>
    %reduce_sum3A_141 = arith.constant dense<0.000000e+00> : vector<2048xf32>
    %reduce_sum3A_142 = vector.multi_reduction <add>, %mul3A_140, %reduce_sum3A_141 [1] : vector<2048x64xf32> to vector<2048xf32>
    %broadcast_in_dim3A_143 = vector.shape_cast %reduce_sum3A_142 : vector<2048xf32> to vector<2048x1xf32>
    %mul3A_144 = vector.broadcast %mul3A_76 : vector<1x64xf32> to vector<2048x64xf32>
    %mul3A_145 = arith.mulf %convert_element_type3A_38, %mul3A_144 : vector<2048x64xf32>
    %reduce_sum3A_146 = arith.constant dense<0.000000e+00> : vector<2048xf32>
    %reduce_sum3A_147 = vector.multi_reduction <add>, %mul3A_145, %reduce_sum3A_146 [1] : vector<2048x64xf32> to vector<2048xf32>
    %broadcast_in_dim3A_148 = vector.shape_cast %reduce_sum3A_147 : vector<2048xf32> to vector<2048x1xf32>
    %mul3A_149 = vector.broadcast %mul3A_76 : vector<1x64xf32> to vector<2048x64xf32>
    %mul3A_150 = arith.mulf %convert_element_type3A_42, %mul3A_149 : vector<2048x64xf32>
    %reduce_sum3A_151 = arith.constant dense<0.000000e+00> : vector<2048xf32>
    %reduce_sum3A_152 = vector.multi_reduction <add>, %mul3A_150, %reduce_sum3A_151 [1] : vector<2048x64xf32> to vector<2048xf32>
    %broadcast_in_dim3A_153 = vector.shape_cast %reduce_sum3A_152 : vector<2048xf32> to vector<2048x1xf32>
    %add3A_154 = arith.addf %broadcast_in_dim3A_148, %broadcast_in_dim3A_139 : vector<2048x1xf32>
    %add3A_155 = arith.addf %broadcast_in_dim3A_153, %broadcast_in_dim3A_143 : vector<2048x1xf32>
    %broadcast_in_dim3A_156 = arith.constant 0 : i32
    %broadcast_in_dim3A_157 = vector.broadcast %broadcast_in_dim3A_156 : i32 to vector<2048x8xi32>
    %swap3A = arith.constant 0 : index
    %swap3A_158 = arith.constant 0 : index
    %swap3A_159 = vector.load %arg2[%swap3A, %swap3A_158] : memref<2048x8xi32, #tpu.memory_space<vmem>>, vector<2048x8xi32>
    tpu.vector_store %arg2[%swap3A, %swap3A_158], %broadcast_in_dim3A_157 {strides = array<i32>} : memref<2048x8xi32, #tpu.memory_space<vmem>>, vector<2048x8xi32>,
    %convert_element_type3A_160 = arith.fptosi %add3A_154 : vector<2048x1xf32> to vector<2048x1xi32>
    %swap3A_161 = arith.constant 0 : index
    %swap3A_162 = arith.constant 0 : index
    %swap3A_163 = vector.load %arg2[%swap3A_161, %swap3A_162] : memref<2048x8xi32, #tpu.memory_space<vmem>>, vector<2048x1xi32>
    tpu.vector_store %arg2[%swap3A_161, %swap3A_162], %convert_element_type3A_160 {strides = array<i32>} : memref<2048x8xi32, #tpu.memory_space<vmem>>, vector<2048x1xi32>,
    %convert_element_type3A_164 = arith.fptosi %add3A_155 : vector<2048x1xf32> to vector<2048x1xi32>
    %swap3A_165 = arith.constant 0 : index
    %swap3A_166 = arith.constant 1 : index
    %swap3A_167 = vector.load %arg2[%swap3A_165, %swap3A_166] : memref<2048x8xi32, #tpu.memory_space<vmem>>, vector<2048x1xi32>
    tpu.vector_store %arg2[%swap3A_165, %swap3A_166], %convert_element_type3A_164 {strides = array<i32>} : memref<2048x8xi32, #tpu.memory_space<vmem>>, vector<2048x1xi32>,
    %broadcast_in_dim3A_168 = arith.constant 0.000000e+00 : f32
    %broadcast_in_dim3A_169 = vector.broadcast %broadcast_in_dim3A_168 : f32 to vector<2048x8xf32>
    %swap3A_170 = arith.constant 0 : index
    %swap3A_171 = arith.constant 0 : index
    %swap3A_172 = vector.load %arg3[%swap3A_170, %swap3A_171] : memref<2048x8xf32, #tpu.memory_space<vmem>>, vector<2048x8xf32>
    tpu.vector_store %arg3[%swap3A_170, %swap3A_171], %broadcast_in_dim3A_169 {strides = array<i32>} : memref<2048x8xf32, #tpu.memory_space<vmem>>, vector<2048x8xf32>,
    %swap3A_173 = arith.constant 0 : index
    %swap3A_174 = arith.constant 0 : index
    %swap3A_175 = vector.load %arg3[%swap3A_173, %swap3A_174] : memref<2048x8xf32, #tpu.memory_space<vmem>>, vector<2048x1xf32>
    tpu.vector_store %arg3[%swap3A_173, %swap3A_174], %div3A_30 {strides = array<i32>} : memref<2048x8xf32, #tpu.memory_space<vmem>>, vector<2048x1xf32>,
    %swap3A_176 = arith.constant 0 : index
    %swap3A_177 = arith.constant 1 : index
    %swap3A_178 = vector.load %arg3[%swap3A_176, %swap3A_177] : memref<2048x8xf32, #tpu.memory_space<vmem>>, vector<2048x1xf32>
    tpu.vector_store %arg3[%swap3A_176, %swap3A_177], %div3A_34 {strides = array<i32>} : memref<2048x8xf32, #tpu.memory_space<vmem>>, vector<2048x1xf32>,
    %broadcast_in_dim3A_179 = arith.constant 0 : i32
    %broadcast_in_dim3A_180 = vector.broadcast %broadcast_in_dim3A_179 : i32 to vector<8x128xi32>
    %swap3A_181 = arith.constant 0 : index
    %swap3A_182 = arith.constant 0 : index
    %swap3A_183 = vector.load %arg4[%swap3A_181, %swap3A_182] : memref<8x128xi32, #tpu.memory_space<vmem>>, vector<8x128xi32>
    tpu.vector_store %arg4[%swap3A_181, %swap3A_182], %broadcast_in_dim3A_180 {strides = array<i32>} : memref<8x128xi32, #tpu.memory_space<vmem>>, vector<8x128xi32>,
    %convert_element_type3A_184 = arith.fptosi %mul3A_76 : vector<1x64xf32> to vector<1x64xi32>
    %swap3A_185 = arith.constant 0 : index
    %swap3A_186 = arith.constant 0 : index
    %swap3A_187 = vector.load %arg4[%swap3A_185, %swap3A_186] : memref<8x128xi32, #tpu.memory_space<vmem>>, vector<1x64xi32>
    tpu.vector_store %arg4[%swap3A_185, %swap3A_186], %convert_element_type3A_184 {strides = array<i32>} : memref<8x128xi32, #tpu.memory_space<vmem>>, vector<1x64xi32>,
    %convert_element_type3A_188 = arith.fptosi %broadcast_in_dim3A_45 : vector<1x64xf32> to vector<1x64xi32>
    %swap3A_189 = arith.constant 1 : index
    %swap3A_190 = arith.constant 0 : index
    %swap3A_191 = vector.load %arg4[%swap3A_189, %swap3A_190] : memref<8x128xi32, #tpu.memory_space<vmem>>, vector<1x64xi32>
    tpu.vector_store %arg4[%swap3A_189, %swap3A_190], %convert_element_type3A_188 {strides = array<i32>} : memref<8x128xi32, #tpu.memory_space<vmem>>, vector<1x64xi32>,
    %convert_element_type3A_192 = arith.fptosi %min3A_85 : vector<1x128xf32> to vector<1x128xi32>
    %swap3A_193 = arith.constant 2 : index
    %swap3A_194 = arith.constant 0 : index
    %swap3A_195 = vector.load %arg4[%swap3A_193, %swap3A_194] : memref<8x128xi32, #tpu.memory_space<vmem>>, vector<1x128xi32>
    tpu.vector_store %arg4[%swap3A_193, %swap3A_194], %convert_element_type3A_192 {strides = array<i32>} : memref<8x128xi32, #tpu.memory_space<vmem>>, vector<1x128xi32>,
    %convert_element_type3A_196 = arith.fptosi %sub3A_95 : vector<1x128xf32> to vector<1x128xi32>
    %swap3A_197 = arith.constant 3 : index
    %swap3A_198 = arith.constant 0 : index
    %swap3A_199 = vector.load %arg4[%swap3A_197, %swap3A_198] : memref<8x128xi32, #tpu.memory_space<vmem>>, vector<1x128xi32>
    tpu.vector_store %arg4[%swap3A_197, %swap3A_198], %convert_element_type3A_196 {strides = array<i32>} : memref<8x128xi32, #tpu.memory_space<vmem>>, vector<1x128xi32>,
    return
  }
}

module attributes {stable_mosaic.version = 14 : i64} {
  func.func @_gmm_kernel(%arg0: i32, %arg1: memref<96xi32, #tpu.memory_space<smem>>, %arg2: memref<96xi32, #tpu.memory_space<smem>>, %arg3: memref<64xi32, #tpu.memory_space<smem>>, %arg4: memref<64xi32, #tpu.memory_space<smem>>, %arg5: memref<128x768xf32, #tpu.memory_space<vmem>>, %arg6: memref<1x768x2048xf32, #tpu.memory_space<vmem>>, %arg7: memref<1x768x2048xf32, #tpu.memory_space<vmem>>, %arg8: memref<1x2048x768xf32, #tpu.memory_space<vmem>>, %arg9: memref<128x768xf32, #tpu.memory_space<vmem>>) attributes {dimension_semantics = [#tpu.dimension_semantics<arbitrary>], iteration_bounds = array<i64: 96>, scalar_prefetch = 4 : i64, scratch_operands = 0 : i64, tpu.core_type = #tpu.core_type<tc>, window_params = [{transform_indices = @transform_0, window_bounds = array<i64: 128, 768>}, {transform_indices = @transform_1, window_bounds = array<i64: 1, 768, 2048>}, {transform_indices = @transform_2, window_bounds = array<i64: 1, 768, 2048>}, {transform_indices = @transform_3, window_bounds = array<i64: 1, 2048, 768>}, {transform_indices = @transform_4, window_bounds = array<i64: 128, 768>}]} {
    %get3A = arith.index_cast %arg0 : i32 to index
    %get3A_0 = memref.load %arg2[%get3A] : memref<96xi32, #tpu.memory_space<smem>>
    %eq3A = arith.cmpi eq, %get3A_0, %arg0 : i32
    %convert_element_type3A = arith.extui %eq3A : i1 to i32
    %cond3A = arith.constant 0 : i32
    %cond3A_1 = arith.cmpi ne, %convert_element_type3A, %cond3A : i32
    scf.if %cond3A_1 {
      %get3A_2 = arith.index_cast %arg0 : i32 to index
      %get3A_3 = memref.load %arg1[%get3A_2] : memref<96xi32, #tpu.memory_space<smem>>
      %get3A_4 = arith.constant 0 : index
      %get3A_5 = arith.constant 0 : index
      %get3A_6 = vector.load %arg5[%get3A_4, %get3A_5] : memref<128x768xf32, #tpu.memory_space<vmem>>, vector<128x768xf32>
      %convert_element_type3A_7 = arith.truncf %get3A_6 : vector<128x768xf32> to vector<128x768xbf16>
      %get3A_8 = arith.constant 0 : index
      %get3A_9 = arith.constant 0 : index
      %get3A_10 = arith.constant 0 : index
      %get3A_11 = vector.load %arg6[%get3A_8, %get3A_9, %get3A_10] : memref<1x768x2048xf32, #tpu.memory_space<vmem>>, vector<1x768x2048xf32>
      %get3A_12 = vector.shape_cast %get3A_11 : vector<1x768x2048xf32> to vector<768x2048xf32>
      %convert_element_type3A_13 = arith.truncf %get3A_12 : vector<768x2048xf32> to vector<768x2048xbf16>
      %dot_general3A = arith.constant dense<0.000000e+00> : vector<128x2048xf32>
      %dot_general3A_14 = tpu.matmul %convert_element_type3A_7, %convert_element_type3A_13, %dot_general3A {dimension_numbers = #tpu.dot_dimension_numbers<[1], [0], [0], [1], [0, 0, 1, 1], [], []>, transpose_lhs_hint = false} : vector<128x768xbf16>, vector<768x2048xbf16>, vector<128x2048xf32> -> vector<128x2048xf32>
      %get3A_15 = arith.constant 0 : index
      %get3A_16 = arith.constant 0 : index
      %get3A_17 = arith.constant 0 : index
      %get3A_18 = vector.load %arg7[%get3A_15, %get3A_16, %get3A_17] : memref<1x768x2048xf32, #tpu.memory_space<vmem>>, vector<1x768x2048xf32>
      %get3A_19 = vector.shape_cast %get3A_18 : vector<1x768x2048xf32> to vector<768x2048xf32>
      %convert_element_type3A_20 = arith.truncf %get3A_19 : vector<768x2048xf32> to vector<768x2048xbf16>
      %dot_general3A_21 = arith.constant dense<0.000000e+00> : vector<128x2048xf32>
      %dot_general3A_22 = tpu.matmul %convert_element_type3A_7, %convert_element_type3A_20, %dot_general3A_21 {dimension_numbers = #tpu.dot_dimension_numbers<[1], [0], [0], [1], [0, 0, 1, 1], [], []>, transpose_lhs_hint = false} : vector<128x768xbf16>, vector<768x2048xbf16>, vector<128x2048xf32> -> vector<128x2048xf32>
      %neg3A = arith.constant 0.000000e+00 : f32
      %neg3A_23 = vector.broadcast %neg3A : f32 to vector<128x2048xf32>
      %neg3A_24 = arith.subf %neg3A_23, %dot_general3A_14 : vector<128x2048xf32>
      %exp3A = math.exp %neg3A_24 : vector<128x2048xf32>
      %add3A = arith.constant 1.000000e+00 : f32
      %add3A_25 = vector.broadcast %add3A : f32 to vector<128x2048xf32>
      %add3A_26 = arith.addf %add3A_25, %exp3A : vector<128x2048xf32>
      %div3A = arith.divf %dot_general3A_14, %add3A_26 : vector<128x2048xf32>
      %mul3A = arith.mulf %div3A, %dot_general3A_22 : vector<128x2048xf32>
      %convert_element_type3A_27 = arith.truncf %mul3A : vector<128x2048xf32> to vector<128x2048xbf16>
      %get3A_28 = arith.constant 0 : index
      %get3A_29 = arith.constant 0 : index
      %get3A_30 = arith.constant 0 : index
      %get3A_31 = vector.load %arg8[%get3A_28, %get3A_29, %get3A_30] : memref<1x2048x768xf32, #tpu.memory_space<vmem>>, vector<1x2048x768xf32>
      %get3A_32 = vector.shape_cast %get3A_31 : vector<1x2048x768xf32> to vector<2048x768xf32>
      %convert_element_type3A_33 = arith.truncf %get3A_32 : vector<2048x768xf32> to vector<2048x768xbf16>
      %dot_general3A_34 = arith.constant dense<0.000000e+00> : vector<128x768xf32>
      %dot_general3A_35 = tpu.matmul %convert_element_type3A_27, %convert_element_type3A_33, %dot_general3A_34 {dimension_numbers = #tpu.dot_dimension_numbers<[1], [0], [0], [1], [0, 0, 1, 1], [], []>, transpose_lhs_hint = false} : vector<128x2048xbf16>, vector<2048x768xbf16>, vector<128x768xf32> -> vector<128x768xf32>
      %iota3A = tpu.iota {dimensions = array<i32: 0>} : vector<128x1xi32>
      %get3A_36 = arith.index_cast %get3A_3 : i32 to index
      %get3A_37 = memref.load %arg4[%get3A_36] : memref<64xi32, #tpu.memory_space<smem>>
      %get3A_38 = arith.index_cast %arg0 : i32 to index
      %get3A_39 = memref.load %arg2[%get3A_38] : memref<96xi32, #tpu.memory_space<smem>>
      %mul3A_40 = arith.constant 128 : i32
      %mul3A_41 = arith.muli %get3A_39, %mul3A_40 : i32
      %get3A_42 = arith.index_cast %get3A_3 : i32 to index
      %get3A_43 = memref.load %arg3[%get3A_42] : memref<64xi32, #tpu.memory_space<smem>>
      %sub3A = arith.subi %mul3A_41, %get3A_43 : i32
      %sub3A_44 = arith.subi %get3A_37, %sub3A : i32
      %lt3A = vector.broadcast %sub3A_44 : i32 to vector<128x1xi32>
      %lt3A_45 = arith.cmpi slt, %iota3A, %lt3A : vector<128x1xi32>
      %jit3A = arith.constant 0.000000e+00 : f32
      %broadcast_in_dim3A = vector.shape_cast %lt3A_45 : vector<128x1xi1> to vector<128x1xi1>
      %broadcast_in_dim3A_46 = vector.broadcast %broadcast_in_dim3A : vector<128x1xi1> to vector<128x768xi1>
      %broadcast_in_dim3A_47 = vector.broadcast %jit3A : f32 to vector<128x768xf32>
      %select_n3A = arith.select %broadcast_in_dim3A_46, %dot_general3A_35, %broadcast_in_dim3A_47 : vector<128x768xi1>, vector<128x768xf32>
      %swap3A = arith.constant 0 : index
      %swap3A_48 = arith.constant 0 : index
      %swap3A_49 = vector.load %arg9[%swap3A, %swap3A_48] : memref<128x768xf32, #tpu.memory_space<vmem>>, vector<128x768xf32>
      tpu.vector_store %arg9[%swap3A, %swap3A_48], %select_n3A {strides = array<i32>} : memref<128x768xf32, #tpu.memory_space<vmem>>, vector<128x768xf32>,
    } else {
    }
    return
  }
  func.func @transform_0(%arg0: i32, %arg1: memref<96xi32, #tpu.memory_space<smem>>, %arg2: memref<96xi32, #tpu.memory_space<smem>>, %arg3: memref<64xi32, #tpu.memory_space<smem>>, %arg4: memref<64xi32, #tpu.memory_space<smem>>) -> (i32, i32) {
    %get3A = arith.index_cast %arg0 : i32 to index
    %get3A_0 = memref.load %arg2[%get3A] : memref<96xi32, #tpu.memory_space<smem>>
    %c0_i32 = arith.constant 0 : i32
    %c0_i32_1 = arith.constant 0 : i32
    return %get3A_0, %c0_i32 : i32, i32
  }
  func.func @transform_1(%arg0: i32, %arg1: memref<96xi32, #tpu.memory_space<smem>>, %arg2: memref<96xi32, #tpu.memory_space<smem>>, %arg3: memref<64xi32, #tpu.memory_space<smem>>, %arg4: memref<64xi32, #tpu.memory_space<smem>>) -> (i32, i32, i32) {
    %get3A = arith.index_cast %arg0 : i32 to index
    %get3A_0 = memref.load %arg1[%get3A] : memref<96xi32, #tpu.memory_space<smem>>
    %c0_i32 = arith.constant 0 : i32
    %c0_i32_1 = arith.constant 0 : i32
    %c0_i32_2 = arith.constant 0 : i32
    return %get3A_0, %c0_i32, %c0_i32_1 : i32, i32, i32
  }
  func.func @transform_2(%arg0: i32, %arg1: memref<96xi32, #tpu.memory_space<smem>>, %arg2: memref<96xi32, #tpu.memory_space<smem>>, %arg3: memref<64xi32, #tpu.memory_space<smem>>, %arg4: memref<64xi32, #tpu.memory_space<smem>>) -> (i32, i32, i32) {
    %get3A = arith.index_cast %arg0 : i32 to index
    %get3A_0 = memref.load %arg1[%get3A] : memref<96xi32, #tpu.memory_space<smem>>
    %c0_i32 = arith.constant 0 : i32
    %c0_i32_1 = arith.constant 0 : i32
    %c0_i32_2 = arith.constant 0 : i32
    return %get3A_0, %c0_i32, %c0_i32_1 : i32, i32, i32
  }
  func.func @transform_3(%arg0: i32, %arg1: memref<96xi32, #tpu.memory_space<smem>>, %arg2: memref<96xi32, #tpu.memory_space<smem>>, %arg3: memref<64xi32, #tpu.memory_space<smem>>, %arg4: memref<64xi32, #tpu.memory_space<smem>>) -> (i32, i32, i32) {
    %get3A = arith.index_cast %arg0 : i32 to index
    %get3A_0 = memref.load %arg1[%get3A] : memref<96xi32, #tpu.memory_space<smem>>
    %c0_i32 = arith.constant 0 : i32
    %c0_i32_1 = arith.constant 0 : i32
    %c0_i32_2 = arith.constant 0 : i32
    return %get3A_0, %c0_i32, %c0_i32_1 : i32, i32, i32
  }
  func.func @transform_4(%arg0: i32, %arg1: memref<96xi32, #tpu.memory_space<smem>>, %arg2: memref<96xi32, #tpu.memory_space<smem>>, %arg3: memref<64xi32, #tpu.memory_space<smem>>, %arg4: memref<64xi32, #tpu.memory_space<smem>>) -> (i32, i32) {
    %get3A = arith.index_cast %arg0 : i32 to index
    %get3A_0 = memref.load %arg2[%get3A] : memref<96xi32, #tpu.memory_space<smem>>
    %c0_i32 = arith.constant 0 : i32
    %c0_i32_1 = arith.constant 0 : i32
    return %get3A_0, %c0_i32 : i32, i32
  }
}

module attributes {stable_mosaic.version = 14 : i64} {
  func.func @_combine_kernel(%arg0: i32, %arg1: memref<512x768xf32, #tpu.memory_space<vmem>>, %arg2: memref<512x768xf32, #tpu.memory_space<vmem>>, %arg3: memref<512x8xf32, #tpu.memory_space<vmem>>, %arg4: memref<512x768xf32, #tpu.memory_space<vmem>>) attributes {dimension_semantics = [#tpu.dimension_semantics<arbitrary>], iteration_bounds = array<i64: 4>, scalar_prefetch = 0 : i64, scratch_operands = 0 : i64, tpu.core_type = #tpu.core_type<tc>, window_params = [{transform_indices = @transform_0, window_bounds = array<i64: 512, 768>}, {transform_indices = @transform_1, window_bounds = array<i64: 512, 768>}, {transform_indices = @transform_2, window_bounds = array<i64: 512, 8>}, {transform_indices = @transform_3, window_bounds = array<i64: 512, 768>}]} {
    %get3A = arith.constant 0 : index
    %get3A_0 = arith.constant 0 : index
    %get3A_1 = vector.load %arg1[%get3A, %get3A_0] : memref<512x768xf32, #tpu.memory_space<vmem>>, vector<512x768xf32>
    %get3A_2 = arith.constant 0 : index
    %get3A_3 = arith.constant 0 : index
    %get3A_4 = vector.load %arg3[%get3A_2, %get3A_3] : memref<512x8xf32, #tpu.memory_space<vmem>>, vector<512x1xf32>
    %mul3A = vector.broadcast %get3A_4 : vector<512x1xf32> to vector<512x768xf32>
    %mul3A_5 = arith.mulf %get3A_1, %mul3A : vector<512x768xf32>
    %get3A_6 = arith.constant 0 : index
    %get3A_7 = arith.constant 0 : index
    %get3A_8 = vector.load %arg2[%get3A_6, %get3A_7] : memref<512x768xf32, #tpu.memory_space<vmem>>, vector<512x768xf32>
    %get3A_9 = arith.constant 0 : index
    %get3A_10 = arith.constant 1 : index
    %get3A_11 = vector.load %arg3[%get3A_9, %get3A_10] : memref<512x8xf32, #tpu.memory_space<vmem>>, vector<512x1xf32>
    %mul3A_12 = vector.broadcast %get3A_11 : vector<512x1xf32> to vector<512x768xf32>
    %mul3A_13 = arith.mulf %get3A_8, %mul3A_12 : vector<512x768xf32>
    %add3A = arith.addf %mul3A_5, %mul3A_13 : vector<512x768xf32>
    %swap3A = arith.constant 0 : index
    %swap3A_14 = arith.constant 0 : index
    %swap3A_15 = vector.load %arg4[%swap3A, %swap3A_14] : memref<512x768xf32, #tpu.memory_space<vmem>>, vector<512x768xf32>
    tpu.vector_store %arg4[%swap3A, %swap3A_14], %add3A {strides = array<i32>} : memref<512x768xf32, #tpu.memory_space<vmem>>, vector<512x768xf32>,
    return
  }
  func.func @transform_0(%arg0: i32) -> (i32, i32) {
    %c0_i32 = arith.constant 0 : i32
    %c0_i32_0 = arith.constant 0 : i32
    return %arg0, %c0_i32 : i32, i32
  }
  func.func @transform_1(%arg0: i32) -> (i32, i32) {
    %c0_i32 = arith.constant 0 : i32
    %c0_i32_0 = arith.constant 0 : i32
    return %arg0, %c0_i32 : i32, i32
  }
  func.func @transform_2(%arg0: i32) -> (i32, i32) {
    %c0_i32 = arith.constant 0 : i32
    %c0_i32_0 = arith.constant 0 : i32
    return %arg0, %c0_i32 : i32, i32
  }
  func.func @transform_3(%arg0: i32) -> (i32, i32) {
    %c0_i32 = arith.constant 0 : i32
    %c0_i32_0 = arith.constant 0 : i32
    return %arg0, %c0_i32 : i32, i32
  }
}

</mosaic_0001>

<sc_bundles>
// kernel: kernel.10.cloned.1.call-start
scs
__scs_entry_jumppad:
0x0: {  	(pc) =	sbr.rel $0x88, $3  }
0x1: {  	(tag) =	ssettag $0x0;
	lr =	simm.s32 $0x1  }
0x2: {  	[smem:$0x3F9C] =	sst lr;
	_ =	strace $0xD0000000  }
0x3: {  	_ = 	snop  }
0x4: {  	_ = 	snop  }
0x5: {  	_ = 	snop  }
0x6: {  	_ = 	snop  }
0x7: {  	_ = 	snop  }
__scs_overlays_trampoline_lowered:
0x8: {  	[smem:$0x3FAB] =	sst s0  }
0x9: {  	[smem:$0x3FAC] =	sst s1  }
0xa: {  	[smem:$0x3FAD] =	sst s2  }
0xb: {  	[smem:$0x3FAE] =	sst s3  }
0xc: {  	[smem:$0x3FAF] =	sst s4  }
0xd: {  	[smem:$0x3FB0] =	sst s5  }
0xe: {  	[smem:$0x3FB1] =	sst s6  }
0xf: {  	[smem:$0x3FB2] =	sst s7  }
0x10: {  	[smem:$0x3FB3] =	sst s8  }
0x11: {  	[smem:$0x3FB4] =	sst s9;
	s0 =	simm.s32 @!p0 $0x0  }
0x12: {  	s1 =	sld [smem:$0x3F9A];
	s0 =	simm.s32 @p0 $0x1  }
0x13: {  	[smem:$0x3FB5] =	sst s0;
	s0 =	simm.s32 @!p1 $0x0  }
0x14: {  	s2 =	sld [smem:$0x3F99];
	s0 =	simm.s32 @p1 $0x1  }
0x15: {  	[smem:$0x3FB6] =	sst s0;
	s0 =	simm.s32 @!p2 $0x0  }
0x16: {  	s3 =	sld [smem:$0x3FDB];
	s0 =	simm.s32 @p2 $0x1  }
0x17: {  	s4 =	simm.s32 $0x1BF5;
	[smem:$0x3FB8] =	sst s0  }
0x18: {  	s0 =	sld [smem:$0x3F9B];
	_ =	swait.ge [sflag:s4], $0x0  }
0x19: {  	s7 =	sld [smem:$0x3F9C]  }
0x1a: {  	s8 =	sadd.s32 $0xFFFFE003, lr  }
0x1b: {  	s9 =	sadd.s32 $0xFFFFFEF7, lr;
	s5 =	simm.s32 $0xFFFFFFFF;
	p2 =	slt.u32 s8, $0xFFFFF086  }
0x1c: {  	p1 =	slt.u32 s9, $0xF7A;
	s5 =	simm.s32 @!p2 $0x0  }
0x1d: {  	s5 =	simm.s32 @p1 $0x1;
	p0 =	seq.s32 s7, s2  }
0x1e: {  	s7 =	smul.u32 @!p0 $0xF7A, s2;
	p2 =	seq.s32 @!p0 s5, $0x0  }
0x1f: {  	s9 =	smul.u32 $0xF7A, s1;
	s8 =	simm.s32 @!p0 $0x1BF5;
	p2 =	por !p2, p0  }
0x20: {  	[sflag:s8] =	ssyncset.s32 @!p0 $0xFFFFF086;
	s6 =	sadd.s32 @!p0 s3, s7;
	s7 =	simm.s32 @!p0 $0x108  }
0x21: {  	s3 =	sadd.s32 s3, s9;
	s6 =	sadd.s32 @!p0 $0x88, s6;
	s7 =	simm.s32 @p2 $0x1082  }
0x22: {  	[simem:s7], [sflag:s8] =	dma.local @!p0 [hbm:s6], $0xF7A  }
0x23: {  	s9 =	sor.u32 $0xD0000000, s2;
	s6 =	simm.s32 $0x108;
	_ =	swait.ge @!p0 [sflag:s8], $0x0  }
0x24: {  	s3 =	sadd.s32 $0x88, s3;
	s6 =	simm.s32 @!p1 $0x1082;
	[sflag:s4] =	ssyncset.s32 $0xFFFFF086  }
0x25: {  	[simem:s6], [sflag:s4] =	dma.local [hbm:s3], $0xF7A  }
0x26: {  	[smem:$0x3F9C] =	sst s1;
	(tag) =	ssettag s2;
	_ =	strace s9  }
0x27: {  	s1 =	sld [smem:$0x3FAC]  }
0x28: {  	s2 =	sld [smem:$0x3FAD]  }
0x29: {  	s4 =	sld [smem:$0x3FAF]  }
0x2a: {  	p0 =	seq.s32 s5, $0x0;
	s5 =	sld [smem:$0x3FB0]  }
0x2b: {  	s6 =	sld [smem:$0x3FB1]  }
0x2c: {  	s7 =	sld [smem:$0x3FB2]  }
0x2d: {  	s3 =	simm.s32 $0x108;
	s8 =	sld [smem:$0x3FB3]  }
0x2e: {  	s3 =	simm.s32 @!p0 $0x1082;
	s9 =	sld [smem:$0x3FB4]  }
0x2f: {  	lr =	sadd.s32 s0, s3;
	s0 =	sld [smem:$0x3FAB]  }
0x30: {  	s3 =	sld [smem:$0x3FAE]  }
0x31: {  	[smem:$0x3FB7] =	sst s10  }
0x32: {  	s10 =	sld [smem:$0x3FB5];
	_ =	sdelay $0x3  }
0x33: {  	p0 =	seq.s32 s10, $0x1;
	s10 =	sld [smem:$0x3FB7];
	_ =	sdelay $0x3  }
0x34: {  	[smem:$0x3FB7] =	sst s10  }
0x35: {  	s10 =	sld [smem:$0x3FB6];
	_ =	sdelay $0x3  }
0x36: {  	p1 =	seq.s32 s10, $0x1;
	s10 =	sld [smem:$0x3FB7];
	_ =	sdelay $0x3  }
0x37: {  	[smem:$0x3FB7] =	sst s10  }
0x38: {  	s10 =	sld [smem:$0x3FB8]  }
0x39: {  	_ = 	snop;
	(pc) =	sbr.ind lr, $3  }
0x3a: {  	_ = 	snop  }
0x3b: {  	_ = 	snop  }
0x3c: {  	p2 =	seq.s32 s10, $0x1;
	s10 =	sld [smem:$0x3FB7]  }
0x3d: {  	_ =	shalt  }
0x3e: {  	_ =	shalt  }
0x3f: {  	_ =	shalt  }
0x40: {  	_ =	shalt  }
0x41: {  	_ =	shalt  }
0x42: {  	_ =	shalt  }
0x43: {  	_ =	shalt  }
0x44: {  	_ =	shalt  }
0x45: {  	_ =	shalt  }
0x46: {  	_ =	shalt  }
0x47: {  	_ =	shalt  }
0x48: {  	_ =	shalt  }
0x49: {  	_ =	shalt  }
0x4a: {  	_ =	shalt  }
0x4b: {  	_ =	shalt  }
0x4c: {  	_ =	shalt  }
0x4d: {  	_ =	shalt  }
0x4e: {  	_ =	shalt  }
0x4f: {  	_ =	shalt  }
0x50: {  	_ =	shalt  }
0x51: {  	_ =	shalt  }
0x52: {  	_ =	shalt  }
0x53: {  	_ =	shalt  }
0x54: {  	_ =	shalt  }
0x55: {  	_ =	shalt  }
0x56: {  	_ =	shalt  }
0x57: {  	_ =	shalt  }
0x58: {  	_ =	shalt  }
0x59: {  	_ =	shalt  }
0x5a: {  	_ =	shalt  }
0x5b: {  	_ =	shalt  }
0x5c: {  	_ =	shalt  }
0x5d: {  	_ =	shalt  }
0x5e: {  	_ =	shalt  }
0x5f: {  	_ =	shalt  }
0x60: {  	_ =	shalt  }
0x61: {  	_ =	shalt  }
0x62: {  	_ =	shalt  }
0x63: {  	_ =	shalt  }
0x64: {  	_ =	shalt  }
0x65: {  	_ =	shalt  }
0x66: {  	_ =	shalt  }
0x67: {  	_ =	shalt  }
0x68: {  	_ =	shalt  }
0x69: {  	_ =	shalt  }
0x6a: {  	_ =	shalt  }
0x6b: {  	_ =	shalt  }
0x6c: {  	_ =	shalt  }
0x6d: {  	_ =	shalt  }
0x6e: {  	_ =	shalt  }
0x6f: {  	_ =	shalt  }
0x70: {  	_ =	shalt  }
0x71: {  	_ =	shalt  }
0x72: {  	_ =	shalt  }
0x73: {  	_ =	shalt  }
0x74: {  	_ =	shalt  }
0x75: {  	_ =	shalt  }
0x76: {  	_ =	shalt  }
0x77: {  	_ =	shalt  }
0x78: {  	_ =	shalt  }
0x79: {  	_ =	shalt  }
0x7a: {  	_ =	shalt  }
0x7b: {  	_ =	shalt  }
0x7c: {  	_ =	shalt  }
0x7d: {  	_ =	shalt  }
0x7e: {  	_ =	shalt  }
0x7f: {  	_ =	shalt  }
0x80: {  	_ =	shalt  }
0x81: {  	_ =	shalt  }
0x82: {  	_ =	shalt  }
0x83: {  	_ =	shalt  }
0x84: {  	_ =	shalt  }
0x85: {  	_ =	shalt  }
0x86: {  	_ =	shalt  }
0x87: {  	_ =	shalt  }
.Lfunc_end0:
.L_simem_size_0:
called_computation.1_lowered:
.L_overlay_start_0:
0x88: {  	s2 =	sld [smem:$0x3FD9]  }
0x89: {  	s3 =	sld [smem:$0x3FFE];
	_ =	sdelay $0x1  }
0x8a: {  	s1 =	srdreg.scid  }
0x8b: {  	s0 =	sand.u32 $0x1, s1  }
0x8c: {  	s17 =	sshll.u32 s0, $0xA;
	s2 =	sadd.s32 s3, s2  }
0x8d: {  	s2 =	sadd.s32 s2, s17  }
0x8e: {  	[smem:$0x3FC3] =	sst s2  }
0x8f: {  	_ = 	snop  }
0x90: {  	s2 =	sld [smem:$0x3FD0];
	(tm) =	ssettm $0x1  }
0x91: {  	s18 =	sld [smem:$0x3FFB];
	_ =	sdelay $0x3  }
0x92: {  	_ =	strace s18  }
0x93: {  	s3 =	sld [smem:$0x3FFC];
	_ =	sdelay $0x3  }
0x94: {  	_ =	strace s3  }
0x95: {  	s3 =	sld [smem:$0x3FFD];
	_ =	sdelay $0x3  }
0x96: {  	_ =	strace s3  }
0x97: {  	_ =	strace $0x8FFFFFFF  }
0x98: {  	s19 =	sld [smem:$0x3FDB];
	_ =	sdelay $0x1  }
0x99: {  	s4 =	simm.s32 $_scs_section_size  }
0x9a: {  	s5 =	simm.s32 $_size__tile_overlayer_lowered;
	s6 =	simm.s32 $_tile_overlayer_lowered  }
0x9b: {  	s22 =	simm.s32 $0x1BFF;
	s21 =	sshll.u32 s6, $0x1;
	s3 =	sadd.s32 s4, s19  }
0x9c: {  	s7 =	simm.s32 $0x0;
	s20 =	sshll.u32 s5, $0x1;
	s5 =	sadd.s32 s21, s3  }
0x9d: {  	[timem:s7], [sflag:s22] =	dma.local [hbm:s5], s20  }
0x9e: {  	_ =	swait.ge [sflag:s22], s20  }
0x9f: {  	s4 =	ssub.s32 $0x0, s20;
	[sflag:s22] =	ssyncset.done $0x0  }
0xa0: {  	[sflag:s22] =	ssyncadd.s32 s4;
	_ =	sdelay $0x1  }
0xa1: {  	s23 =	simm.s32 $0x1B8B  }
0xa2: {  	_ =	swait.ge [sflag:s23], $0x1  }
0xa3: {  	[sflag:s23] =	ssyncset.done $0x0  }
0xa4: {  	s25 =	simm.s32 $0x1B8E;
	s24 =	sld [smem:$0x3FFE];
	[sflag:s23] =	ssyncadd.s32 $0xFFFFFFFF  }
0xa5: {  	s26 =	simm.s32 $execute0_lowered;
	[smem:$0x3FD2] =	sst s25  }
0xa6: {  	s5 =	sshll.u32 s26, $0x1;
	_ =	strace $0x80000049;
	[dreg:$0x1] =	wrdreg $0xFFFFFFFF  }
0xa7: {  	s28 =	simm.s32 $_size_execute0_lowered;
	s3 =	sadd.s32 s3, s5;
	[dreg:$0x0] =	wrdreg $0x0  }
0xa8: {  	s5 =	sshll.u32 s28, $0x1;
	[dreg:$0x2] =	wrdreg s3  }
0xa9: {  	[dreg:$0x3] =	wrdreg s5  }
0xaa: {  	[dreg:$0x4] =	wrdreg $0xC0  }
0xab: {  	_ =	task [dreg:s7], $0x5FFFF  }
0xac: {  	[dreg:$0x1] =	wrdreg $0xFFFFFFFF  }
0xad: {  	[dreg:$0x0] =	wrdreg $0x60  }
0xae: {  	[dreg:$0x2] =	wrdreg s24  }
0xaf: {  	[dreg:$0x3] =	wrdreg s2  }
0xb0: {  	[dreg:$0x4] =	wrdreg $0x9  }
0xb1: {  	_ =	task.clear_ibuf [dreg:s7], $0x5FFFF;
	_ =	strace $0x90000049  }
0xb2: {  	s29 =	simm.s32 $0x9;
	_ =	strace $0x8000004B  }
0xb3: {  	_ =	swait.ge [sflag:s29], $0x1  }
0xb4: {  	[sflag:s29] =	ssyncadd.s32 $0xFFFFFFFF  }
0xb5: {  	_ =	strace $0x9000004B  }
0xb6: {  	_ =	sfence  }
0xb7: {  	s30 =	sld [smem:$0x0];
	_ =	sdelay $0x2  }
0xb8: {  	s31 =	sshll.u32 s1, $0xD;
	s1 =	sshrl.u32 s1, $0x2  }
0xb9: {  	s3 =	sand.u32 $0x4000, s31;
	s1 =	sadd.s32 s1, s30  }
0xba: {  	s0 =	sor.u32 s3, s0;
	s1 =	sshll.u32 s1, $0x11  }
0xbb: {  	s0 =	sor.u32 s1, s0  }
0xbc: {  	s0 =	sadd.s32 $0x8F2B, s0  }
0xbd: {  	[sflag:s0] =	ssyncadd.remote.s32 $0x1  }
0xbe: {  	_ =	sfence.sel $0xFFFF  }
0xbf: {  	[dreg:$0x0] =	wrdreg $0xFFFFFFFF;
	(pc) =	sbr.abs _section_cstart, $3  }
0xc0: {  	[dreg:$0x1] =	wrdreg $0xFFFFFFFF  }
0xc1: {  	_ =	task.clear_ibuf [dreg:s7], $0x2FFFF;
	_ =	strace $0x9FFFFFFF  }
0xc2: {  	(tm) =	ssettm $0x7FFFFFFF  }
0xc3: {  	_ =	shalt  }
tec
execute0_lowered:
.L_overlay_start_1:
0x0: {  	(tag) =	ssettag $0x1  }
0x1: {  	s2 =	srdreg.scid;
	s1 =	rddreg [dreg:$0x0]  }
0x2: {  	s3 =	rddreg [dreg:$0x1];
	s4 =	sand.u32 $0x1, s2;
	s2 =	simm.s32 $0x0  }
0x3: {  	s22 =	simm.s32 $0x80;
	[smem:$0x7FF] =	sst s2  }
0x4: {  	s23 =	simm.s32 $0x900;
	_ =	strace $0x8000004A;
	[dreg:$0x7] =	wrdreg s22  }
0x5: {  	s24 =	simm.s32 $0x1100;
	[dreg:$0x8] =	wrdreg s23  }
0x6: {  	s25 =	simm.s32 $0x1900;
	[dreg:$0x9] =	wrdreg s24  }
0x7: {  	s0 =	stileid.u32;
	s26 =	simm.s32 $0x2100;
	[dreg:$0xa] =	wrdreg s25  }
0x8: {  	s5 =	sshll.u32 s0, $0x4;
	s0 =	simm.s32 $0x2900;
	[dreg:$0xb] =	wrdreg s26  }
0x9: {  	s8 =	simm.s32 $0x4900;
	[dreg:$0xc] =	wrdreg s0  }
0xa: {  	s9 =	simm.s32 $0x5100;
	[dreg:$0x10] =	wrdreg s8  }
0xb: {  	s10 =	simm.s32 $0x5900;
	[dreg:$0x11] =	wrdreg s9  }
0xc: {  	s11 =	simm.s32 $0x6100;
	s12 =	simm.s32 $0x6900;
	[dreg:$0x12] =	wrdreg s10  }
0xd: {  	s13 =	simm.s32 $0x7100;
	s14 =	simm.s32 $0x7900;
	[dreg:$0x13] =	wrdreg s11  }
0xe: {  	s15 =	simm.s32 $0x8100;
	s16 =	simm.s32 $0x8900;
	[dreg:$0x14] =	wrdreg s12  }
0xf: {  	s17 =	simm.s32 $0x9100;
	s18 =	simm.s32 $0x9900;
	[dreg:$0x15] =	wrdreg s13  }
0x10: {  	s28 =	simm.s32 $0x16900;
	s29 =	simm.s32 $0x17100;
	[dreg:$0x16] =	wrdreg s14  }
0x11: {  	s30 =	simm.s32 $0x17900;
	s31 =	simm.s32 $0x1;
	[dreg:$0x17] =	wrdreg s15  }
0x12: {  	s6 =	sshll.u32 s4, $0x3;
	s4 =	ssub.s32 $0x2, s4;
	[dreg:$0x18] =	wrdreg s16  }
0x13: {  	s5 =	sor.u32 s6, s5;
	[dreg:$0x19] =	wrdreg s17;
	s19 =	sshrl.u32 s4, $0x1  }
0x14: {  	[dreg:$0x1a] =	wrdreg s18;
	s22 =	simm.s32 $0xB100;
	s23 =	simm.s32 $0xB900  }
0x15: {  	s24 =	simm.s32 $0xC900;
	s25 =	simm.s32 $0xD100;
	s8 =	simm.s32 $0x100  }
0x16: {  	s26 =	simm.s32 $0xD900;
	s9 =	simm.s32 $0xC100;
	s11 =	simm.s32 $0xE900  }
0x17: {  	s12 =	simm.s32 $0xF100;
	s13 =	simm.s32 $0xF900;
	[dreg:$0x1d] =	wrdreg s22  }
0x18: {  	s14 =	simm.s32 $0x10100;
	s15 =	simm.s32 $0x10900;
	[dreg:$0x1e] =	wrdreg s23  }
0x19: {  	s16 =	simm.s32 $0x11100;
	s17 =	simm.s32 $0x11900;
	[dreg:$0x1f] =	wrdreg s24  }
0x1a: {  	s18 =	simm.s32 $0x12100;
	s6 =	sadd.s32 s5, s1;
	[smem:$0x7FC] =	sst s25  }
0x1b: {  	s5 =	smul.u32 $0x300, s5;
	[smem:$0x7FD] =	sst s26;
	s7 =	sadd.s32 $0x9600, s6  }
0x1c: {  	s22 =	simm.s32 $0x14100;
	s6 =	sadd.s32 $0x9400, s6;
	[dreg:$0x3] =	wrdreg s7  }
0x1d: {  	s23 =	simm.s32 $0x14900;
	[dreg:$0x4] =	wrdreg s6;
	s3 =	sadd.s32 s3, s5  }
0x1e: {  	s20 =	sadd.s32 s5, s1;
	s5 =	simm.s32 $0x3100;
	[dreg:$0x5] =	wrdreg s3  }
0x1f: {  	s24 =	simm.s32 $0x15100;
	s6 =	simm.s32 $0x3900;
	[dreg:$0xd] =	wrdreg s5  }
0x20: {  	s25 =	simm.s32 $0x15900;
	s7 =	simm.s32 $0x4100;
	[dreg:$0xe] =	wrdreg s6  }
0x21: {  	s26 =	simm.s32 $0x16100;
	s21 =	sadd.s32 $0x9800, s20;
	[dreg:$0xf] =	wrdreg s7  }
0x22: {  	s3 =	sadd.s32 $0x129E00, s1;
	s20 =	simm.s32 $0xA100;
	s6 =	ssub.s32 s4, s19  }
0x23: {  	s4 =	sadd.s32 $0x129F00, s1;
	s5 =	sadd.s32 $0x12A000, s1;
	s7 =	simm.s32 $0x3  }
0x24: {  	v2 =	vlaneseq.u32;
	s19 =	simm.s32 $0x12900;
	s1 =	simm.s32 $0x2;
	[dreg:$0x6] =	wrdreg s21  }
0x25: {  	vm0 =	vmmov $0xffff;
	v1 =	vshrl.u32 v2, $0x3;
	[dreg:$0x1b] =	wrdreg s20;
	s21 =	simm.s32 $0xA900;
	s6 =	smax.u32 s6, $0x1  }
0x26: {  	v0 =	vand.u32 $0x7, v2;
	v2 =	vor.u32 $0x8, v2;
	v1 =	vmul.u32 $0x8, v1;
	s20 =	simm.s32 $0x13100;
	[dreg:$0x1c] =	wrdreg s21;
	s21 =	simm.s32 $0x13900  }
.LBB2_1:
0x27: {  	s0 =	rddreg [dreg:$0x3]  }
0x28: {  	[tilespmem:s2], [sflag:$0x3] =	stream.linear.gather [hbm4b:s0+s2], $0x40, $0x38;
	[tilespmem:$0x18100] =	vst v63  }
0x29: {  	_ =	swait.ge [sflag:s7], $0x40  }
0x2a: {  	s0 =	rddreg [dreg:$0x4];
	[sflag:s7] =	ssyncset.done $0x0  }
0x2b: {  	s10 =	rddreg [dreg:$0x7];
	[sflag:s7] =	ssyncadd.s32 $0xFFFFFFC0  }
0x2c: {  	[tilespmem:s10], [sflag:$0x3] =	stream.linear.gather [hbm4b:s0+s2], $0x40, $0x38;
	[tilespmem:$0x18100] =	vst v63  }
0x2d: {  	_ =	swait.ge [sflag:s7], $0x40  }
0x2e: {  	[sflag:s7] =	ssyncset.done $0x0  }
0x2f: {  	[sflag:s7] =	ssyncadd.s32 $0xFFFFFFC0  }
0x30: {  	v3 =	vld [tilespmem:$0x0];
	_ =	sdelay $0x4  }
0x31: {  	v4 =	vshrl.u32 v3, $0x3  }
0x32: {  	v4 =	vmul.u32 $0x30, v4  }
0x33: {  	v3 =	vand.u32 $0x7, v3  }
0x34: {  	v3 =	vor.u32 v3, v4  }
0x35: {  	v4 =	vperm.xlane v3, v0;
	_ =	sdelay $0x1  }
0x36: {  	v4 =	vadd.s32 v1, v4;
	_ =	sdelay $0x3  }
0x37: {  	v3 =	vperm.xlane v3, v2  }
0x38: {  	[tilespmem:s8], [sflag:$0x1] =	stream.indirect_vreg.gather [hbm4b:s3+s2], $0x80, v4, vm0, $0xb8;
	[tilespmem:$0x18100] =	vst v63  }
0x39: {  	s0 =	rddreg [dreg:$0x8];
	v3 =	vadd.s32 v1, v3  }
0x3a: {  	[tilespmem:s0], [sflag:$0x1] =	stream.indirect_vreg.gather [hbm4b:s4+s2], $0x80, v4, vm0, $0xb8;
	[tilespmem:$0x18100] =	vst v63  }
0x3b: {  	s10 =	rddreg [dreg:$0x9]  }
0x3c: {  	[tilespmem:s10], [sflag:$0x1] =	stream.indirect_vreg.gather [hbm4b:s5+s2], $0x80, v4, vm0, $0xb8;
	[tilespmem:$0x18100] =	vst v63  }
0x3d: {  	s0 =	rddreg [dreg:$0xa]  }
0x3e: {  	[tilespmem:s0], [sflag:$0x1] =	stream.indirect_vreg.gather [hbm4b:s3+s2], $0x80, v3, vm0, $0xb8;
	[tilespmem:$0x18100] =	vst v63  }
0x3f: {  	s10 =	rddreg [dreg:$0xb]  }
0x40: {  	[tilespmem:s10], [sflag:$0x1] =	stream.indirect_vreg.gather [hbm4b:s4+s2], $0x80, v3, vm0, $0xb8;
	[tilespmem:$0x18100] =	vst v63  }
0x41: {  	s0 =	rddreg [dreg:$0xc]  }
0x42: {  	[tilespmem:s0], [sflag:$0x1] =	stream.indirect_vreg.gather [hbm4b:s5+s2], $0x80, v3, vm0, $0xb8;
	[tilespmem:$0x18100] =	vst v63  }
0x43: {  	v3 =	vld [tilespmem:$0x10];
	_ =	sdelay $0x4  }
0x44: {  	v57 =	vshrl.u32 v3, $0x3  }
0x45: {  	v4 =	vmul.u32 $0x30, v57  }
0x46: {  	v3 =	vand.u32 $0x7, v3  }
0x47: {  	v3 =	vor.u32 v3, v4  }
0x48: {  	v4 =	vperm.xlane v3, v0;
	_ =	sdelay $0x1  }
0x49: {  	v4 =	vadd.s32 v1, v4;
	_ =	sdelay $0x3  }
0x4a: {  	s0 =	rddreg [dreg:$0xd];
	v3 =	vperm.xlane v3, v2  }
0x4b: {  	[tilespmem:s0], [sflag:$0x1] =	stream.indirect_vreg.gather [hbm4b:s3+s2], $0x80, v4, vm0, $0xb8;
	[tilespmem:$0x18100] =	vst v63  }
0x4c: {  	s10 =	rddreg [dreg:$0xe];
	v3 =	vadd.s32 v1, v3  }
0x4d: {  	[tilespmem:s10], [sflag:$0x1] =	stream.indirect_vreg.gather [hbm4b:s4+s2], $0x80, v4, vm0, $0xb8;
	[tilespmem:$0x18100] =	vst v63  }
0x4e: {  	s0 =	rddreg [dreg:$0xf]  }
0x4f: {  	[tilespmem:s0], [sflag:$0x1] =	stream.indirect_vreg.gather [hbm4b:s5+s2], $0x80, v4, vm0, $0xb8;
	[tilespmem:$0x18100] =	vst v63  }
0x50: {  	s10 =	rddreg [dreg:$0x10]  }
0x51: {  	[tilespmem:s10], [sflag:$0x1] =	stream.indirect_vreg.gather [hbm4b:s3+s2], $0x80, v3, vm0, $0xb8;
	[tilespmem:$0x18100] =	vst v63  }
0x52: {  	s0 =	rddreg [dreg:$0x11]  }
0x53: {  	[tilespmem:s0], [sflag:$0x1] =	stream.indirect_vreg.gather [hbm4b:s4+s2], $0x80, v3, vm0, $0xb8;
	[tilespmem:$0x18100] =	vst v63  }
0x54: {  	s10 =	rddreg [dreg:$0x12]  }
0x55: {  	[tilespmem:s10], [sflag:$0x1] =	stream.indirect_vreg.gather [hbm4b:s5+s2], $0x80, v3, vm0, $0xb8;
	[tilespmem:$0x18100] =	vst v63  }
0x56: {  	v3 =	vld [tilespmem:$0x20];
	_ =	sdelay $0x4  }
0x57: {  	v58 =	vshrl.u32 v3, $0x3  }
0x58: {  	v4 =	vmul.u32 $0x30, v58  }
0x59: {  	v3 =	vand.u32 $0x7, v3  }
0x5a: {  	v3 =	vor.u32 v3, v4  }
0x5b: {  	v4 =	vperm.xlane v3, v0;
	_ =	sdelay $0x1  }
0x5c: {  	v4 =	vadd.s32 v1, v4;
	_ =	sdelay $0x3  }
0x5d: {  	s0 =	rddreg [dreg:$0x13];
	v3 =	vperm.xlane v3, v2  }
0x5e: {  	[tilespmem:s0], [sflag:$0x1] =	stream.indirect_vreg.gather [hbm4b:s3+s2], $0x80, v4, vm0, $0xb8;
	[tilespmem:$0x18100] =	vst v63  }
0x5f: {  	s10 =	rddreg [dreg:$0x14];
	v3 =	vadd.s32 v1, v3  }
0x60: {  	[tilespmem:s10], [sflag:$0x1] =	stream.indirect_vreg.gather [hbm4b:s4+s2], $0x80, v4, vm0, $0xb8;
	[tilespmem:$0x18100] =	vst v63  }
0x61: {  	s0 =	rddreg [dreg:$0x15]  }
0x62: {  	[tilespmem:s0], [sflag:$0x1] =	stream.indirect_vreg.gather [hbm4b:s5+s2], $0x80, v4, vm0, $0xb8;
	[tilespmem:$0x18100] =	vst v63  }
0x63: {  	s10 =	rddreg [dreg:$0x16]  }
0x64: {  	[tilespmem:s10], [sflag:$0x1] =	stream.indirect_vreg.gather [hbm4b:s3+s2], $0x80, v3, vm0, $0xb8;
	[tilespmem:$0x18100] =	vst v63  }
0x65: {  	s0 =	rddreg [dreg:$0x17]  }
0x66: {  	[tilespmem:s0], [sflag:$0x1] =	stream.indirect_vreg.gather [hbm4b:s4+s2], $0x80, v3, vm0, $0xb8;
	[tilespmem:$0x18100] =	vst v63  }
0x67: {  	s10 =	rddreg [dreg:$0x18]  }
0x68: {  	[tilespmem:s10], [sflag:$0x1] =	stream.indirect_vreg.gather [hbm4b:s5+s2], $0x80, v3, vm0, $0xb8;
	[tilespmem:$0x18100] =	vst v63  }
0x69: {  	v3 =	vld [tilespmem:$0x30];
	_ =	sdelay $0x4  }
0x6a: {  	v59 =	vshrl.u32 v3, $0x3  }
0x6b: {  	v4 =	vmul.u32 $0x30, v59  }
0x6c: {  	v3 =	vand.u32 $0x7, v3  }
0x6d: {  	v3 =	vor.u32 v3, v4  }
0x6e: {  	v4 =	vperm.xlane v3, v0;
	_ =	sdelay $0x1  }
0x6f: {  	v4 =	vadd.s32 v1, v4;
	_ =	sdelay $0x3  }
0x70: {  	s0 =	rddreg [dreg:$0x19];
	v3 =	vperm.xlane v3, v2  }
0x71: {  	[tilespmem:s0], [sflag:$0x1] =	stream.indirect_vreg.gather [hbm4b:s3+s2], $0x80, v4, vm0, $0xb8;
	[tilespmem:$0x18100] =	vst v63  }
0x72: {  	s10 =	rddreg [dreg:$0x1a];
	v3 =	vadd.s32 v1, v3  }
0x73: {  	[tilespmem:s10], [sflag:$0x1] =	stream.indirect_vreg.gather [hbm4b:s4+s2], $0x80, v4, vm0, $0xb8;
	[tilespmem:$0x18100] =	vst v63  }
0x74: {  	s0 =	rddreg [dreg:$0x1b]  }
0x75: {  	[tilespmem:s0], [sflag:$0x1] =	stream.indirect_vreg.gather [hbm4b:s5+s2], $0x80, v4, vm0, $0xb8;
	[tilespmem:$0x18100] =	vst v63  }
0x76: {  	s10 =	rddreg [dreg:$0x1c]  }
0x77: {  	[tilespmem:s10], [sflag:$0x1] =	stream.indirect_vreg.gather [hbm4b:s3+s2], $0x80, v3, vm0, $0xb8;
	[tilespmem:$0x18100] =	vst v63  }
0x78: {  	s0 =	rddreg [dreg:$0x1d]  }
0x79: {  	[tilespmem:s0], [sflag:$0x1] =	stream.indirect_vreg.gather [hbm4b:s4+s2], $0x80, v3, vm0, $0xb8;
	[tilespmem:$0x18100] =	vst v63  }
0x7a: {  	s10 =	rddreg [dreg:$0x1e]  }
0x7b: {  	[tilespmem:s10], [sflag:$0x1] =	stream.indirect_vreg.gather [hbm4b:s5+s2], $0x80, v3, vm0, $0xb8;
	[tilespmem:$0x18100] =	vst v63  }
0x7c: {  	v3 =	vld [tilespmem:$0x80];
	_ =	sdelay $0x4  }
0x7d: {  	v60 =	vshrl.u32 v3, $0x3  }
0x7e: {  	v4 =	vmul.u32 $0x30, v60  }
0x7f: {  	v3 =	vand.u32 $0x7, v3  }
0x80: {  	v3 =	vor.u32 v3, v4  }
0x81: {  	v4 =	vperm.xlane v3, v0;
	_ =	sdelay $0x1  }
0x82: {  	v4 =	vadd.s32 v1, v4;
	_ =	sdelay $0x3  }
0x83: {  	s0 =	rddreg [dreg:$0x1f];
	v3 =	vperm.xlane v3, v2  }
0x84: {  	[tilespmem:s9], [sflag:$0x2] =	stream.indirect_vreg.gather [hbm4b:s3+s2], $0x80, v4, vm0, $0xb8;
	[tilespmem:$0x18100] =	vst v63  }
0x85: {  	s10 =	sld [smem:$0x7FC];
	v3 =	vadd.s32 v1, v3  }
0x86: {  	[tilespmem:s0], [sflag:$0x2] =	stream.indirect_vreg.gather [hbm4b:s4+s2], $0x80, v4, vm0, $0xb8;
	[tilespmem:$0x18100] =	vst v63  }
0x87: {  	s0 =	sld [smem:$0x7FD]  }
0x88: {  	[tilespmem:s10], [sflag:$0x2] =	stream.indirect_vreg.gather [hbm4b:s5+s2], $0x80, v4, vm0, $0xb8;
	[tilespmem:$0x18100] =	vst v63  }
0x89: {  	_ = 	snop  }
0x8a: {  	[tilespmem:s0], [sflag:$0x2] =	stream.indirect_vreg.gather [hbm4b:s3+s2], $0x80, v3, vm0, $0xb8;
	[tilespmem:$0x18100] =	vst v63  }
0x8b: {  	s10 =	simm.s32 $0xE100  }
0x8c: {  	[tilespmem:s10], [sflag:$0x2] =	stream.indirect_vreg.gather [hbm4b:s4+s2], $0x80, v3, vm0, $0xb8;
	[tilespmem:$0x18100] =	vst v63  }
0x8d: {  	_ = 	snop  }
0x8e: {  	[tilespmem:s11], [sflag:$0x2] =	stream.indirect_vreg.gather [hbm4b:s5+s2], $0x80, v3, vm0, $0xb8;
	[tilespmem:$0x18100] =	vst v63  }
0x8f: {  	v3 =	vld [tilespmem:$0x90];
	_ =	sdelay $0x4  }
0x90: {  	v61 =	vshrl.u32 v3, $0x3  }
0x91: {  	v4 =	vmul.u32 $0x30, v61  }
0x92: {  	v3 =	vand.u32 $0x7, v3  }
0x93: {  	v3 =	vor.u32 v3, v4  }
0x94: {  	v4 =	vperm.xlane v3, v0;
	_ =	sdelay $0x1  }
0x95: {  	v4 =	vadd.s32 v1, v4;
	_ =	sdelay $0x3  }
0x96: {  	v3 =	vperm.xlane v3, v2  }
0x97: {  	[tilespmem:s12], [sflag:$0x2] =	stream.indirect_vreg.gather [hbm4b:s3+s2], $0x80, v4, vm0, $0xb8;
	[tilespmem:$0x18100] =	vst v63  }
0x98: {  	v3 =	vadd.s32 v1, v3  }
0x99: {  	[tilespmem:s13], [sflag:$0x2] =	stream.indirect_vreg.gather [hbm4b:s4+s2], $0x80, v4, vm0, $0xb8;
	[tilespmem:$0x18100] =	vst v63  }
0x9a: {  	_ = 	snop  }
0x9b: {  	[tilespmem:s14], [sflag:$0x2] =	stream.indirect_vreg.gather [hbm4b:s5+s2], $0x80, v4, vm0, $0xb8;
	[tilespmem:$0x18100] =	vst v63  }
0x9c: {  	_ = 	snop  }
0x9d: {  	[tilespmem:s15], [sflag:$0x2] =	stream.indirect_vreg.gather [hbm4b:s3+s2], $0x80, v3, vm0, $0xb8;
	[tilespmem:$0x18100] =	vst v63  }
0x9e: {  	_ = 	snop  }
0x9f: {  	[tilespmem:s16], [sflag:$0x2] =	stream.indirect_vreg.gather [hbm4b:s4+s2], $0x80, v3, vm0, $0xb8;
	[tilespmem:$0x18100] =	vst v63  }
0xa0: {  	_ = 	snop  }
0xa1: {  	[tilespmem:s17], [sflag:$0x2] =	stream.indirect_vreg.gather [hbm4b:s5+s2], $0x80, v3, vm0, $0xb8;
	[tilespmem:$0x18100] =	vst v63  }
0xa2: {  	v3 =	vld [tilespmem:$0xA0];
	_ =	sdelay $0x4  }
0xa3: {  	v62 =	vshrl.u32 v3, $0x3  }
0xa4: {  	v4 =	vmul.u32 $0x30, v62  }
0xa5: {  	v3 =	vand.u32 $0x7, v3  }
0xa6: {  	v3 =	vor.u32 v3, v4  }
0xa7: {  	v4 =	vperm.xlane v3, v0;
	_ =	sdelay $0x1  }
0xa8: {  	v4 =	vadd.s32 v1, v4;
	_ =	sdelay $0x3  }
0xa9: {  	v3 =	vperm.xlane v3, v2  }
0xaa: {  	[tilespmem:s18], [sflag:$0x2] =	stream.indirect_vreg.gather [hbm4b:s3+s2], $0x80, v4, vm0, $0xb8;
	[tilespmem:$0x18100] =	vst v63  }
0xab: {  	v3 =	vadd.s32 v1, v3  }
0xac: {  	[tilespmem:s19], [sflag:$0x2] =	stream.indirect_vreg.gather [hbm4b:s4+s2], $0x80, v4, vm0, $0xb8;
	[tilespmem:$0x18100] =	vst v63  }
0xad: {  	_ = 	snop  }
0xae: {  	[tilespmem:s20], [sflag:$0x2] =	stream.indirect_vreg.gather [hbm4b:s5+s2], $0x80, v4, vm0, $0xb8;
	[tilespmem:$0x18100] =	vst v63  }
0xaf: {  	_ = 	snop  }
0xb0: {  	[tilespmem:s21], [sflag:$0x2] =	stream.indirect_vreg.gather [hbm4b:s3+s2], $0x80, v3, vm0, $0xb8;
	[tilespmem:$0x18100] =	vst v63  }
0xb1: {  	_ = 	snop  }
0xb2: {  	[tilespmem:s22], [sflag:$0x2] =	stream.indirect_vreg.gather [hbm4b:s4+s2], $0x80, v3, vm0, $0xb8;
	[tilespmem:$0x18100] =	vst v63  }
0xb3: {  	_ = 	snop  }
0xb4: {  	[tilespmem:s23], [sflag:$0x2] =	stream.indirect_vreg.gather [hbm4b:s5+s2], $0x80, v3, vm0, $0xb8;
	[tilespmem:$0x18100] =	vst v63  }
0xb5: {  	v3 =	vld [tilespmem:$0xB0];
	_ =	sdelay $0x4  }
0xb6: {  	v63 =	vshrl.u32 v3, $0x3  }
0xb7: {  	v4 =	vmul.u32 $0x30, v63  }
0xb8: {  	v3 =	vand.u32 $0x7, v3  }
0xb9: {  	v3 =	vor.u32 v3, v4  }
0xba: {  	v4 =	vperm.xlane v3, v0;
	_ =	sdelay $0x1  }
0xbb: {  	v4 =	vadd.s32 v1, v4;
	_ =	sdelay $0x3  }
0xbc: {  	v3 =	vperm.xlane v3, v2  }
0xbd: {  	[tilespmem:s24], [sflag:$0x2] =	stream.indirect_vreg.gather [hbm4b:s3+s2], $0x80, v4, vm0, $0xb8;
	[tilespmem:$0x18100] =	vst v63  }
0xbe: {  	v3 =	vadd.s32 v1, v3  }
0xbf: {  	[tilespmem:s25], [sflag:$0x2] =	stream.indirect_vreg.gather [hbm4b:s4+s2], $0x80, v4, vm0, $0xb8;
	[tilespmem:$0x18100] =	vst v63  }
0xc0: {  	_ = 	snop  }
0xc1: {  	[tilespmem:s26], [sflag:$0x2] =	stream.indirect_vreg.gather [hbm4b:s5+s2], $0x80, v4, vm0, $0xb8;
	[tilespmem:$0x18100] =	vst v63  }
0xc2: {  	_ = 	snop  }
0xc3: {  	[tilespmem:s28], [sflag:$0x2] =	stream.indirect_vreg.gather [hbm4b:s3+s2], $0x80, v3, vm0, $0xb8;
	[tilespmem:$0x18100] =	vst v63  }
0xc4: {  	_ = 	snop  }
0xc5: {  	[tilespmem:s29], [sflag:$0x2] =	stream.indirect_vreg.gather [hbm4b:s4+s2], $0x80, v3, vm0, $0xb8;
	[tilespmem:$0x18100] =	vst v63  }
0xc6: {  	_ = 	snop  }
0xc7: {  	[tilespmem:s30], [sflag:$0x2] =	stream.indirect_vreg.gather [hbm4b:s5+s2], $0x80, v3, vm0, $0xb8;
	[tilespmem:$0x18100] =	vst v63  }
0xc8: {  	_ =	swait.ge [sflag:s31], $0xC000  }
0xc9: {  	[sflag:s31] =	ssyncset.done $0x0  }
0xca: {  	[sflag:s31] =	ssyncadd.s32 $0xFFFF4000  }
0xcb: {  	_ =	swait.ge [sflag:s1], $0xC000  }
0xcc: {  	[sflag:s1] =	ssyncset.done $0x0  }
0xcd: {  	s10 =	rddreg [dreg:$0x5];
	[sflag:s1] =	ssyncadd.s32 $0xFFFF4000  }
0xce: {  	[hbm4b:s10+s2] =	stream.linear.scatter [tilespmem:s8], [sflag:$0x3], $0xC000, $0x38;
	[tilespmem:$0x18100] =	vst v63  }
0xcf: {  	_ =	swait.ge [sflag:s7], $0xC000  }
0xd0: {  	p0 =	sne.s32 s6, $0x1;
	[sflag:s7] =	ssyncset.done $0x0  }
.Ltmp0:
0xd1: {  	s10 =	rddreg [dreg:$0x6];
	[sflag:s7] =	ssyncadd.s32 $0xFFFF4000;
	(pc) =	sbr.rel @p0 .LBB2_1-.Ltmp0, $4  }
0xd2: {  	[hbm4b:s10+s2] =	stream.linear.scatter [tilespmem:s9], [sflag:$0x3], $0xC000, $0x38;
	[tilespmem:$0x18100] =	vst v63  }
0xd3: {  	_ =	swait.ge [sflag:s7], $0xC000  }
0xd4: {  	[sflag:s7] =	ssyncset.done $0x0  }
0xd5: {  	s6 =	sadd.s32 $0xFFFFFFFF, s6;
	[sflag:s7] =	ssyncadd.s32 $0xFFFF4000  }
0xd6: {  	_ =	sfence.sel $0x180000  }
0xd7: {  	[bflag:$0x0] =	sbarrier.arrive $0xFFFF  }
0xd8: {  	_ =	strace $0x9000004A  }
0xd9: {  	s0 =	stileid.u32;
	[bflag:$0x2] =	sbarrier.arrive $0xFFFF  }
0xda: {  	p0 =	sne.s32 s0, $0x0;
	s0 =	rddreg [dreg:$0x2]  }
0xdb: {  	s0 =	sadd.s32 @!p0 $0x100000, s0  }
0xdc: {  	[sflag:s0] =	ssyncadd.tile.s32 @!p0 $0x1;
	_ =	shalt  }
.Lfunc_end2:
_tile_overlayer_lowered:
.L_overlay_start_2:
0xdd: {  	(tag) =	ssettag $0x2  }
0xde: {  	s0 =	rddreg [dreg:$0x0];
	s2 =	stileid.u32  }
0xdf: {  	s1 =	rddreg [dreg:$0x1];
	p0 =	sne.s32 s2, $0x0  }
0xe0: {  	s3 =	rddreg [dreg:$0x2];
	[bflag:$0x3] =	sbarrier.arrive $0xFFFF;
	s2 =	simm.s32 @!p0 $0x1C03  }
0xe1: {  	[timem:s3], [sflag:s2] =	dma.local @!p0 [hbm:s0], s1  }
0xe2: {  	s0 =	simm.s32 @!p0 $0x3  }
0xe3: {  	_ =	swait.ge @!p0 [sflag:s0], s1  }
0xe4: {  	s1 =	ssub.s32 @!p0 $0x0, s1;
	[sflag:s0] =	ssyncset.done @!p0 $0x0  }
0xe5: {  	[sflag:s0] =	ssyncadd.s32 @!p0 s1  }
0xe6: {  	[bflag:$0x3] =	sbarrier.arrive $0xFFFF  }
0xe7: {  	_ =	shalt  }

// kernel: kernel.7.cloned.1.call-start
scs
__scs_entry_jumppad:
0x0: {  	(pc) =	sbr.rel $0x88, $3  }
0x1: {  	(tag) =	ssettag $0x0;
	lr =	simm.s32 $0x1  }
0x2: {  	[smem:$0x3F9C] =	sst lr;
	_ =	strace $0xD0000000  }
0x3: {  	_ = 	snop  }
0x4: {  	_ = 	snop  }
0x5: {  	_ = 	snop  }
0x6: {  	_ = 	snop  }
0x7: {  	_ = 	snop  }
__scs_overlays_trampoline_lowered:
0x8: {  	[smem:$0x3FAB] =	sst s0  }
0x9: {  	[smem:$0x3FAC] =	sst s1  }
0xa: {  	[smem:$0x3FAD] =	sst s2  }
0xb: {  	[smem:$0x3FAE] =	sst s3  }
0xc: {  	[smem:$0x3FAF] =	sst s4  }
0xd: {  	[smem:$0x3FB0] =	sst s5  }
0xe: {  	[smem:$0x3FB1] =	sst s6  }
0xf: {  	[smem:$0x3FB2] =	sst s7  }
0x10: {  	[smem:$0x3FB3] =	sst s8  }
0x11: {  	[smem:$0x3FB4] =	sst s9;
	s0 =	simm.s32 @!p0 $0x0  }
0x12: {  	s1 =	sld [smem:$0x3F9A];
	s0 =	simm.s32 @p0 $0x1  }
0x13: {  	[smem:$0x3FB5] =	sst s0;
	s0 =	simm.s32 @!p1 $0x0  }
0x14: {  	s2 =	sld [smem:$0x3F99];
	s0 =	simm.s32 @p1 $0x1  }
0x15: {  	[smem:$0x3FB6] =	sst s0;
	s0 =	simm.s32 @!p2 $0x0  }
0x16: {  	s3 =	sld [smem:$0x3FDB];
	s0 =	simm.s32 @p2 $0x1  }
0x17: {  	s4 =	simm.s32 $0x1BF5;
	[smem:$0x3FB8] =	sst s0  }
0x18: {  	s0 =	sld [smem:$0x3F9B];
	_ =	swait.ge [sflag:s4], $0x0  }
0x19: {  	s7 =	sld [smem:$0x3F9C]  }
0x1a: {  	s8 =	sadd.s32 $0xFFFFE003, lr  }
0x1b: {  	s9 =	sadd.s32 $0xFFFFFEF7, lr;
	s5 =	simm.s32 $0xFFFFFFFF;
	p2 =	slt.u32 s8, $0xFFFFF086  }
0x1c: {  	p1 =	slt.u32 s9, $0xF7A;
	s5 =	simm.s32 @!p2 $0x0  }
0x1d: {  	s5 =	simm.s32 @p1 $0x1;
	p0 =	seq.s32 s7, s2  }
0x1e: {  	s7 =	smul.u32 @!p0 $0xF7A, s2;
	p2 =	seq.s32 @!p0 s5, $0x0  }
0x1f: {  	s9 =	smul.u32 $0xF7A, s1;
	s8 =	simm.s32 @!p0 $0x1BF5;
	p2 =	por !p2, p0  }
0x20: {  	[sflag:s8] =	ssyncset.s32 @!p0 $0xFFFFF086;
	s6 =	sadd.s32 @!p0 s3, s7;
	s7 =	simm.s32 @!p0 $0x108  }
0x21: {  	s3 =	sadd.s32 s3, s9;
	s6 =	sadd.s32 @!p0 $0x88, s6;
	s7 =	simm.s32 @p2 $0x1082  }
0x22: {  	[simem:s7], [sflag:s8] =	dma.local @!p0 [hbm:s6], $0xF7A  }
0x23: {  	s9 =	sor.u32 $0xD0000000, s2;
	s6 =	simm.s32 $0x108;
	_ =	swait.ge @!p0 [sflag:s8], $0x0  }
0x24: {  	s3 =	sadd.s32 $0x88, s3;
	s6 =	simm.s32 @!p1 $0x1082;
	[sflag:s4] =	ssyncset.s32 $0xFFFFF086  }
0x25: {  	[simem:s6], [sflag:s4] =	dma.local [hbm:s3], $0xF7A  }
0x26: {  	[smem:$0x3F9C] =	sst s1;
	(tag) =	ssettag s2;
	_ =	strace s9  }
0x27: {  	s1 =	sld [smem:$0x3FAC]  }
0x28: {  	s2 =	sld [smem:$0x3FAD]  }
0x29: {  	s4 =	sld [smem:$0x3FAF]  }
0x2a: {  	p0 =	seq.s32 s5, $0x0;
	s5 =	sld [smem:$0x3FB0]  }
0x2b: {  	s6 =	sld [smem:$0x3FB1]  }
0x2c: {  	s7 =	sld [smem:$0x3FB2]  }
0x2d: {  	s3 =	simm.s32 $0x108;
	s8 =	sld [smem:$0x3FB3]  }
0x2e: {  	s3 =	simm.s32 @!p0 $0x1082;
	s9 =	sld [smem:$0x3FB4]  }
0x2f: {  	lr =	sadd.s32 s0, s3;
	s0 =	sld [smem:$0x3FAB]  }
0x30: {  	s3 =	sld [smem:$0x3FAE]  }
0x31: {  	[smem:$0x3FB7] =	sst s10  }
0x32: {  	s10 =	sld [smem:$0x3FB5];
	_ =	sdelay $0x3  }
0x33: {  	p0 =	seq.s32 s10, $0x1;
	s10 =	sld [smem:$0x3FB7];
	_ =	sdelay $0x3  }
0x34: {  	[smem:$0x3FB7] =	sst s10  }
0x35: {  	s10 =	sld [smem:$0x3FB6];
	_ =	sdelay $0x3  }
0x36: {  	p1 =	seq.s32 s10, $0x1;
	s10 =	sld [smem:$0x3FB7];
	_ =	sdelay $0x3  }
0x37: {  	[smem:$0x3FB7] =	sst s10  }
0x38: {  	s10 =	sld [smem:$0x3FB8]  }
0x39: {  	_ = 	snop;
	(pc) =	sbr.ind lr, $3  }
0x3a: {  	_ = 	snop  }
0x3b: {  	_ = 	snop  }
0x3c: {  	p2 =	seq.s32 s10, $0x1;
	s10 =	sld [smem:$0x3FB7]  }
0x3d: {  	_ =	shalt  }
0x3e: {  	_ =	shalt  }
0x3f: {  	_ =	shalt  }
0x40: {  	_ =	shalt  }
0x41: {  	_ =	shalt  }
0x42: {  	_ =	shalt  }
0x43: {  	_ =	shalt  }
0x44: {  	_ =	shalt  }
0x45: {  	_ =	shalt  }
0x46: {  	_ =	shalt  }
0x47: {  	_ =	shalt  }
0x48: {  	_ =	shalt  }
0x49: {  	_ =	shalt  }
0x4a: {  	_ =	shalt  }
0x4b: {  	_ =	shalt  }
0x4c: {  	_ =	shalt  }
0x4d: {  	_ =	shalt  }
0x4e: {  	_ =	shalt  }
0x4f: {  	_ =	shalt  }
0x50: {  	_ =	shalt  }
0x51: {  	_ =	shalt  }
0x52: {  	_ =	shalt  }
0x53: {  	_ =	shalt  }
0x54: {  	_ =	shalt  }
0x55: {  	_ =	shalt  }
0x56: {  	_ =	shalt  }
0x57: {  	_ =	shalt  }
0x58: {  	_ =	shalt  }
0x59: {  	_ =	shalt  }
0x5a: {  	_ =	shalt  }
0x5b: {  	_ =	shalt  }
0x5c: {  	_ =	shalt  }
0x5d: {  	_ =	shalt  }
0x5e: {  	_ =	shalt  }
0x5f: {  	_ =	shalt  }
0x60: {  	_ =	shalt  }
0x61: {  	_ =	shalt  }
0x62: {  	_ =	shalt  }
0x63: {  	_ =	shalt  }
0x64: {  	_ =	shalt  }
0x65: {  	_ =	shalt  }
0x66: {  	_ =	shalt  }
0x67: {  	_ =	shalt  }
0x68: {  	_ =	shalt  }
0x69: {  	_ =	shalt  }
0x6a: {  	_ =	shalt  }
0x6b: {  	_ =	shalt  }
0x6c: {  	_ =	shalt  }
0x6d: {  	_ =	shalt  }
0x6e: {  	_ =	shalt  }
0x6f: {  	_ =	shalt  }
0x70: {  	_ =	shalt  }
0x71: {  	_ =	shalt  }
0x72: {  	_ =	shalt  }
0x73: {  	_ =	shalt  }
0x74: {  	_ =	shalt  }
0x75: {  	_ =	shalt  }
0x76: {  	_ =	shalt  }
0x77: {  	_ =	shalt  }
0x78: {  	_ =	shalt  }
0x79: {  	_ =	shalt  }
0x7a: {  	_ =	shalt  }
0x7b: {  	_ =	shalt  }
0x7c: {  	_ =	shalt  }
0x7d: {  	_ =	shalt  }
0x7e: {  	_ =	shalt  }
0x7f: {  	_ =	shalt  }
0x80: {  	_ =	shalt  }
0x81: {  	_ =	shalt  }
0x82: {  	_ =	shalt  }
0x83: {  	_ =	shalt  }
0x84: {  	_ =	shalt  }
0x85: {  	_ =	shalt  }
0x86: {  	_ =	shalt  }
0x87: {  	_ =	shalt  }
.Lfunc_end0:
.L_simem_size_0:
called_computation_lowered:
.L_overlay_start_0:
0x88: {  	s2 =	sld [smem:$0x3FD9]  }
0x89: {  	s3 =	sld [smem:$0x3FFE];
	_ =	sdelay $0x1  }
0x8a: {  	s1 =	srdreg.scid  }
0x8b: {  	s0 =	sand.u32 $0x1, s1  }
0x8c: {  	s17 =	sshll.u32 s0, $0xA;
	s2 =	sadd.s32 s3, s2  }
0x8d: {  	s2 =	sadd.s32 s2, s17  }
0x8e: {  	[smem:$0x3FC3] =	sst s2  }
0x8f: {  	_ = 	snop  }
0x90: {  	s2 =	sld [smem:$0x3FC9];
	(tm) =	ssettm $0x1  }
0x91: {  	s18 =	sld [smem:$0x3FFB];
	_ =	sdelay $0x3  }
0x92: {  	_ =	strace s18  }
0x93: {  	s3 =	sld [smem:$0x3FFC];
	_ =	sdelay $0x3  }
0x94: {  	_ =	strace s3  }
0x95: {  	s3 =	sld [smem:$0x3FFD];
	_ =	sdelay $0x3  }
0x96: {  	_ =	strace s3  }
0x97: {  	_ =	strace $0x8FFFFFFF  }
0x98: {  	s19 =	sld [smem:$0x3FDB];
	_ =	sdelay $0x1  }
0x99: {  	s4 =	simm.s32 $_scs_section_size  }
0x9a: {  	s5 =	simm.s32 $_size__tile_overlayer_lowered;
	s6 =	simm.s32 $_tile_overlayer_lowered  }
0x9b: {  	s22 =	simm.s32 $0x1BFF;
	s21 =	sshll.u32 s6, $0x1;
	s3 =	sadd.s32 s4, s19  }
0x9c: {  	s7 =	simm.s32 $0x0;
	s20 =	sshll.u32 s5, $0x1;
	s5 =	sadd.s32 s21, s3  }
0x9d: {  	[timem:s7], [sflag:s22] =	dma.local [hbm:s5], s20  }
0x9e: {  	_ =	swait.ge [sflag:s22], s20  }
0x9f: {  	s4 =	ssub.s32 $0x0, s20;
	[sflag:s22] =	ssyncset.done $0x0  }
0xa0: {  	[sflag:s22] =	ssyncadd.s32 s4;
	_ =	sdelay $0x1  }
0xa1: {  	s23 =	simm.s32 $0x1B8B  }
0xa2: {  	_ =	swait.ge [sflag:s23], $0x1  }
0xa3: {  	[sflag:s23] =	ssyncset.done $0x0  }
0xa4: {  	s25 =	simm.s32 $0x1B8E;
	s24 =	sld [smem:$0x3FFE];
	[sflag:s23] =	ssyncadd.s32 $0xFFFFFFFF  }
0xa5: {  	s26 =	simm.s32 $execute0_lowered;
	[smem:$0x3FD2] =	sst s25  }
0xa6: {  	s5 =	sshll.u32 s26, $0x1;
	_ =	strace $0x80000046;
	[dreg:$0x1] =	wrdreg $0xFFFFFFFF  }
0xa7: {  	s28 =	simm.s32 $_size_execute0_lowered;
	s3 =	sadd.s32 s3, s5;
	[dreg:$0x0] =	wrdreg $0x0  }
0xa8: {  	s5 =	sshll.u32 s28, $0x1;
	[dreg:$0x2] =	wrdreg s3  }
0xa9: {  	[dreg:$0x3] =	wrdreg s5  }
0xaa: {  	[dreg:$0x4] =	wrdreg $0xC0  }
0xab: {  	_ =	task [dreg:s7], $0x5FFFF  }
0xac: {  	[dreg:$0x1] =	wrdreg $0xFFFFFFFF  }
0xad: {  	[dreg:$0x0] =	wrdreg $0x60  }
0xae: {  	[dreg:$0x2] =	wrdreg s2  }
0xaf: {  	[dreg:$0x3] =	wrdreg s24  }
0xb0: {  	[dreg:$0x4] =	wrdreg $0x9  }
0xb1: {  	_ =	task.clear_ibuf [dreg:s7], $0x5FFFF;
	_ =	strace $0x90000046  }
0xb2: {  	s29 =	simm.s32 $0x9;
	_ =	strace $0x80000048  }
0xb3: {  	_ =	swait.ge [sflag:s29], $0x1  }
0xb4: {  	[sflag:s29] =	ssyncadd.s32 $0xFFFFFFFF  }
0xb5: {  	_ =	strace $0x90000048  }
0xb6: {  	_ =	sfence  }
0xb7: {  	s30 =	sld [smem:$0x0];
	_ =	sdelay $0x2  }
0xb8: {  	s31 =	sshll.u32 s1, $0xD;
	s1 =	sshrl.u32 s1, $0x2  }
0xb9: {  	s3 =	sand.u32 $0x4000, s31;
	s1 =	sadd.s32 s1, s30  }
0xba: {  	s0 =	sor.u32 s3, s0;
	s1 =	sshll.u32 s1, $0x11  }
0xbb: {  	s0 =	sor.u32 s1, s0  }
0xbc: {  	s0 =	sadd.s32 $0x8F2B, s0  }
0xbd: {  	[sflag:s0] =	ssyncadd.remote.s32 $0x1  }
0xbe: {  	_ =	sfence.sel $0xFFFF  }
0xbf: {  	[dreg:$0x0] =	wrdreg $0xFFFFFFFF;
	(pc) =	sbr.abs _section_cstart, $3  }
0xc0: {  	[dreg:$0x1] =	wrdreg $0xFFFFFFFF  }
0xc1: {  	_ =	task.clear_ibuf [dreg:s7], $0x2FFFF;
	_ =	strace $0x9FFFFFFF  }
0xc2: {  	(tm) =	ssettm $0x7FFFFFFF  }
0xc3: {  	_ =	shalt  }
tec
execute0_lowered:
.L_overlay_start_1:
0x0: {  	(tag) =	ssettag $0x1  }
0x1: {  	s0 =	srdreg.scid  }
0x2: {  	s1 =	rddreg [dreg:$0x0];
	s2 =	stileid.u32  }
0x3: {  	s5 =	rddreg [dreg:$0x1];
	s26 =	simm.s32 $0x80;
	s8 =	simm.s32 $0x3  }
0x4: {  	s9 =	simm.s32 $0x2;
	s12 =	simm.s32 $0x1900;
	s13 =	simm.s32 $0x2100  }
0x5: {  	s14 =	simm.s32 $0x2900;
	s15 =	simm.s32 $0x3100;
	s16 =	simm.s32 $0x3900  }
0x6: {  	s17 =	simm.s32 $0x4100;
	s18 =	simm.s32 $0x4900;
	s19 =	simm.s32 $0x5100  }
0x7: {  	s20 =	simm.s32 $0x5900;
	s21 =	simm.s32 $0x6100;
	s22 =	simm.s32 $0x6900  }
0x8: {  	s28 =	simm.s32 $0x9100;
	s29 =	simm.s32 $0x9900;
	s30 =	simm.s32 $0xA100  }
0x9: {  	s31 =	simm.s32 $0xA900;
	s7 =	simm.s32 $0xB900;
	s0 =	sand.u32 $0x1, s0  }
0xa: {  	s3 =	sshll.u32 s2, $0x4;
	s2 =	simm.s32 $0x0;
	s4 =	sshll.u32 s0, $0x3  }
0xb: {  	[smem:$0x7FF] =	sst s2;
	s0 =	ssub.s32 $0x2, s0;
	s3 =	sor.u32 s4, s3  }
0xc: {  	_ =	strace $0x80000047;
	s23 =	sshrl.u32 s0, $0x1;
	[dreg:$0x6] =	wrdreg s26  }
0xd: {  	s26 =	simm.s32 $0x8900;
	s4 =	smul.u32 $0x300, s3;
	s6 =	sadd.s32 s3, s5  }
0xe: {  	s3 =	sadd.s32 $0x9800, s5;
	s0 =	ssub.s32 s0, s23;
	s24 =	sadd.s32 $0x9600, s6  }
0xf: {  	s23 =	simm.s32 $0x7100;
	s25 =	sadd.s32 $0x9400, s6;
	[dreg:$0x4] =	wrdreg s24  }
0x10: {  	v2 =	vlaneseq.u32;
	s6 =	smax.u32 s0, $0x1;
	s1 =	sadd.s32 s1, s4;
	[dreg:$0x5] =	wrdreg s25  }
0x11: {  	vm0 =	vmmov $0xffff;
	v1 =	vshrl.u32 v2, $0x3;
	s4 =	sadd.s32 $0x9900, s5;
	s5 =	sadd.s32 $0x9A00, s5;
	s24 =	simm.s32 $0x7900  }
0x12: {  	v0 =	vand.u32 $0x7, v2;
	v2 =	vor.u32 $0x8, v2;
	v1 =	vmul.u32 $0x8, v1;
	s25 =	simm.s32 $0x8100;
	[dreg:$0x3] =	wrdreg s1;
	s1 =	simm.s32 $0xB100  }
.LBB2_1:
0x13: {  	s10 =	rddreg [dreg:$0x3];
	s0 =	simm.s32 $0x100  }
0x14: {  	[tilespmem:s0], [sflag:$0x3] =	stream.linear.gather [hbm4b:s10+s2], $0xC000, $0x38;
	[tilespmem:$0xC100] =	vst v63  }
0x15: {  	_ =	swait.ge [sflag:s8], $0xC000  }
0x16: {  	[sflag:s8] =	ssyncset.done $0x0  }
0x17: {  	s11 =	rddreg [dreg:$0x4];
	[sflag:s8] =	ssyncadd.s32 $0xFFFF4000  }
0x18: {  	[tilespmem:s2], [sflag:$0x3] =	stream.linear.gather [hbm4b:s11+s2], $0x40, $0x38;
	[tilespmem:$0xC100] =	vst v63  }
0x19: {  	_ =	swait.ge [sflag:s8], $0x40  }
0x1a: {  	s10 =	rddreg [dreg:$0x5];
	[sflag:s8] =	ssyncset.done $0x0  }
0x1b: {  	s11 =	rddreg [dreg:$0x6];
	[sflag:s8] =	ssyncadd.s32 $0xFFFFFFC0  }
0x1c: {  	[tilespmem:s11], [sflag:$0x3] =	stream.linear.gather [hbm4b:s10+s2], $0x40, $0x38;
	[tilespmem:$0xC100] =	vst v63  }
0x1d: {  	_ =	swait.ge [sflag:s8], $0x40  }
0x1e: {  	[sflag:s8] =	ssyncset.done $0x0  }
0x1f: {  	[sflag:s8] =	ssyncadd.s32 $0xFFFFFFC0  }
0x20: {  	v3 =	vld [tilespmem:$0x0];
	_ =	sdelay $0x4  }
0x21: {  	v4 =	vshrl.u32 v3, $0x3  }
0x22: {  	v4 =	vmul.u32 $0x30, v4  }
0x23: {  	v3 =	vand.u32 $0x7, v3  }
0x24: {  	v3 =	vor.u32 v3, v4  }
0x25: {  	v4 =	vperm.xlane v3, v0;
	_ =	sdelay $0x1  }
0x26: {  	v4 =	vadd.s32 v1, v4;
	_ =	sdelay $0x3  }
0x27: {  	v3 =	vperm.xlane v3, v2  }
0x28: {  	[hbm4b:s3+s2] =	stream.indirect_vreg.scatter [tilespmem:s0], [sflag:$0x1], $0x80, v4, vm0, $0xb8;
	[tilespmem:$0xC100] =	vst v63  }
0x29: {  	s10 =	simm.s32 $0x900;
	v3 =	vadd.s32 v1, v3  }
0x2a: {  	[hbm4b:s4+s2] =	stream.indirect_vreg.scatter [tilespmem:s10], [sflag:$0x1], $0x80, v4, vm0, $0xb8;
	[tilespmem:$0xC100] =	vst v63  }
0x2b: {  	s11 =	simm.s32 $0x1100  }
0x2c: {  	[hbm4b:s5+s2] =	stream.indirect_vreg.scatter [tilespmem:s11], [sflag:$0x1], $0x80, v4, vm0, $0xb8;
	[tilespmem:$0xC100] =	vst v63  }
0x2d: {  	_ = 	snop  }
0x2e: {  	[hbm4b:s3+s2] =	stream.indirect_vreg.scatter [tilespmem:s12], [sflag:$0x1], $0x80, v3, vm0, $0xb8;
	[tilespmem:$0xC100] =	vst v63  }
0x2f: {  	_ = 	snop  }
0x30: {  	[hbm4b:s4+s2] =	stream.indirect_vreg.scatter [tilespmem:s13], [sflag:$0x1], $0x80, v3, vm0, $0xb8;
	[tilespmem:$0xC100] =	vst v63  }
0x31: {  	_ = 	snop  }
0x32: {  	[hbm4b:s5+s2] =	stream.indirect_vreg.scatter [tilespmem:s14], [sflag:$0x1], $0x80, v3, vm0, $0xb8;
	[tilespmem:$0xC100] =	vst v63  }
0x33: {  	v3 =	vld [tilespmem:$0x10];
	_ =	sdelay $0x4  }
0x34: {  	v57 =	vshrl.u32 v3, $0x3  }
0x35: {  	v4 =	vmul.u32 $0x30, v57  }
0x36: {  	v3 =	vand.u32 $0x7, v3  }
0x37: {  	v3 =	vor.u32 v3, v4  }
0x38: {  	v4 =	vperm.xlane v3, v0;
	_ =	sdelay $0x1  }
0x39: {  	v4 =	vadd.s32 v1, v4;
	_ =	sdelay $0x3  }
0x3a: {  	v3 =	vperm.xlane v3, v2  }
0x3b: {  	[hbm4b:s3+s2] =	stream.indirect_vreg.scatter [tilespmem:s15], [sflag:$0x1], $0x80, v4, vm0, $0xb8;
	[tilespmem:$0xC100] =	vst v63  }
0x3c: {  	v3 =	vadd.s32 v1, v3  }
0x3d: {  	[hbm4b:s4+s2] =	stream.indirect_vreg.scatter [tilespmem:s16], [sflag:$0x1], $0x80, v4, vm0, $0xb8;
	[tilespmem:$0xC100] =	vst v63  }
0x3e: {  	_ = 	snop  }
0x3f: {  	[hbm4b:s5+s2] =	stream.indirect_vreg.scatter [tilespmem:s17], [sflag:$0x1], $0x80, v4, vm0, $0xb8;
	[tilespmem:$0xC100] =	vst v63  }
0x40: {  	_ = 	snop  }
0x41: {  	[hbm4b:s3+s2] =	stream.indirect_vreg.scatter [tilespmem:s18], [sflag:$0x1], $0x80, v3, vm0, $0xb8;
	[tilespmem:$0xC100] =	vst v63  }
0x42: {  	_ = 	snop  }
0x43: {  	[hbm4b:s4+s2] =	stream.indirect_vreg.scatter [tilespmem:s19], [sflag:$0x1], $0x80, v3, vm0, $0xb8;
	[tilespmem:$0xC100] =	vst v63  }
0x44: {  	_ = 	snop  }
0x45: {  	[hbm4b:s5+s2] =	stream.indirect_vreg.scatter [tilespmem:s20], [sflag:$0x1], $0x80, v3, vm0, $0xb8;
	[tilespmem:$0xC100] =	vst v63  }
0x46: {  	v3 =	vld [tilespmem:$0x20];
	_ =	sdelay $0x4  }
0x47: {  	v58 =	vshrl.u32 v3, $0x3  }
0x48: {  	v4 =	vmul.u32 $0x30, v58  }
0x49: {  	v3 =	vand.u32 $0x7, v3  }
0x4a: {  	v3 =	vor.u32 v3, v4  }
0x4b: {  	v4 =	vperm.xlane v3, v0;
	_ =	sdelay $0x1  }
0x4c: {  	v4 =	vadd.s32 v1, v4;
	_ =	sdelay $0x3  }
0x4d: {  	v3 =	vperm.xlane v3, v2  }
0x4e: {  	[hbm4b:s3+s2] =	stream.indirect_vreg.scatter [tilespmem:s21], [sflag:$0x1], $0x80, v4, vm0, $0xb8;
	[tilespmem:$0xC100] =	vst v63  }
0x4f: {  	v3 =	vadd.s32 v1, v3  }
0x50: {  	[hbm4b:s4+s2] =	stream.indirect_vreg.scatter [tilespmem:s22], [sflag:$0x1], $0x80, v4, vm0, $0xb8;
	[tilespmem:$0xC100] =	vst v63  }
0x51: {  	_ = 	snop  }
0x52: {  	[hbm4b:s5+s2] =	stream.indirect_vreg.scatter [tilespmem:s23], [sflag:$0x1], $0x80, v4, vm0, $0xb8;
	[tilespmem:$0xC100] =	vst v63  }
0x53: {  	_ = 	snop  }
0x54: {  	[hbm4b:s3+s2] =	stream.indirect_vreg.scatter [tilespmem:s24], [sflag:$0x1], $0x80, v3, vm0, $0xb8;
	[tilespmem:$0xC100] =	vst v63  }
0x55: {  	_ = 	snop  }
0x56: {  	[hbm4b:s4+s2] =	stream.indirect_vreg.scatter [tilespmem:s25], [sflag:$0x1], $0x80, v3, vm0, $0xb8;
	[tilespmem:$0xC100] =	vst v63  }
0x57: {  	_ = 	snop  }
0x58: {  	[hbm4b:s5+s2] =	stream.indirect_vreg.scatter [tilespmem:s26], [sflag:$0x1], $0x80, v3, vm0, $0xb8;
	[tilespmem:$0xC100] =	vst v63  }
0x59: {  	v3 =	vld [tilespmem:$0x30];
	_ =	sdelay $0x4  }
0x5a: {  	v59 =	vshrl.u32 v3, $0x3  }
0x5b: {  	v4 =	vmul.u32 $0x30, v59  }
0x5c: {  	v3 =	vand.u32 $0x7, v3  }
0x5d: {  	v3 =	vor.u32 v3, v4  }
0x5e: {  	v4 =	vperm.xlane v3, v0;
	_ =	sdelay $0x1  }
0x5f: {  	v4 =	vadd.s32 v1, v4;
	_ =	sdelay $0x3  }
0x60: {  	v3 =	vperm.xlane v3, v2  }
0x61: {  	[hbm4b:s3+s2] =	stream.indirect_vreg.scatter [tilespmem:s28], [sflag:$0x1], $0x80, v4, vm0, $0xb8;
	[tilespmem:$0xC100] =	vst v63  }
0x62: {  	v3 =	vadd.s32 v1, v3  }
0x63: {  	[hbm4b:s4+s2] =	stream.indirect_vreg.scatter [tilespmem:s29], [sflag:$0x1], $0x80, v4, vm0, $0xb8;
	[tilespmem:$0xC100] =	vst v63  }
0x64: {  	_ = 	snop  }
0x65: {  	[hbm4b:s5+s2] =	stream.indirect_vreg.scatter [tilespmem:s30], [sflag:$0x1], $0x80, v4, vm0, $0xb8;
	[tilespmem:$0xC100] =	vst v63  }
0x66: {  	_ = 	snop  }
0x67: {  	[hbm4b:s3+s2] =	stream.indirect_vreg.scatter [tilespmem:s31], [sflag:$0x1], $0x80, v3, vm0, $0xb8;
	[tilespmem:$0xC100] =	vst v63  }
0x68: {  	_ = 	snop  }
0x69: {  	[hbm4b:s4+s2] =	stream.indirect_vreg.scatter [tilespmem:s1], [sflag:$0x1], $0x80, v3, vm0, $0xb8;
	[tilespmem:$0xC100] =	vst v63  }
0x6a: {  	_ = 	snop  }
0x6b: {  	[hbm4b:s5+s2] =	stream.indirect_vreg.scatter [tilespmem:s7], [sflag:$0x1], $0x80, v3, vm0, $0xb8;
	[tilespmem:$0xC100] =	vst v63  }
0x6c: {  	v3 =	vld [tilespmem:$0x80];
	_ =	sdelay $0x4  }
0x6d: {  	v60 =	vshrl.u32 v3, $0x3  }
0x6e: {  	v4 =	vmul.u32 $0x30, v60  }
0x6f: {  	v3 =	vand.u32 $0x7, v3  }
0x70: {  	v3 =	vor.u32 v3, v4  }
0x71: {  	v4 =	vperm.xlane v3, v0;
	_ =	sdelay $0x1  }
0x72: {  	v4 =	vadd.s32 v1, v4;
	_ =	sdelay $0x3  }
0x73: {  	v3 =	vperm.xlane v3, v2  }
0x74: {  	[hbm4b:s3+s2] =	stream.indirect_vreg.scatter [tilespmem:s0], [sflag:$0x2], $0x80, v4, vm0, $0xb8;
	[tilespmem:$0xC100] =	vst v63  }
0x75: {  	v3 =	vadd.s32 v1, v3  }
0x76: {  	[hbm4b:s4+s2] =	stream.indirect_vreg.scatter [tilespmem:s10], [sflag:$0x2], $0x80, v4, vm0, $0xb8;
	[tilespmem:$0xC100] =	vst v63  }
0x77: {  	_ = 	snop  }
0x78: {  	[hbm4b:s5+s2] =	stream.indirect_vreg.scatter [tilespmem:s11], [sflag:$0x2], $0x80, v4, vm0, $0xb8;
	[tilespmem:$0xC100] =	vst v63  }
0x79: {  	_ = 	snop  }
0x7a: {  	[hbm4b:s3+s2] =	stream.indirect_vreg.scatter [tilespmem:s12], [sflag:$0x2], $0x80, v3, vm0, $0xb8;
	[tilespmem:$0xC100] =	vst v63  }
0x7b: {  	_ = 	snop  }
0x7c: {  	[hbm4b:s4+s2] =	stream.indirect_vreg.scatter [tilespmem:s13], [sflag:$0x2], $0x80, v3, vm0, $0xb8;
	[tilespmem:$0xC100] =	vst v63  }
0x7d: {  	_ = 	snop  }
0x7e: {  	[hbm4b:s5+s2] =	stream.indirect_vreg.scatter [tilespmem:s14], [sflag:$0x2], $0x80, v3, vm0, $0xb8;
	[tilespmem:$0xC100] =	vst v63  }
0x7f: {  	v3 =	vld [tilespmem:$0x90];
	_ =	sdelay $0x4  }
0x80: {  	v61 =	vshrl.u32 v3, $0x3  }
0x81: {  	v4 =	vmul.u32 $0x30, v61  }
0x82: {  	v3 =	vand.u32 $0x7, v3  }
0x83: {  	v3 =	vor.u32 v3, v4  }
0x84: {  	v4 =	vperm.xlane v3, v0;
	_ =	sdelay $0x1  }
0x85: {  	v4 =	vadd.s32 v1, v4;
	_ =	sdelay $0x3  }
0x86: {  	v3 =	vperm.xlane v3, v2  }
0x87: {  	[hbm4b:s3+s2] =	stream.indirect_vreg.scatter [tilespmem:s15], [sflag:$0x2], $0x80, v4, vm0, $0xb8;
	[tilespmem:$0xC100] =	vst v63  }
0x88: {  	v3 =	vadd.s32 v1, v3  }
0x89: {  	[hbm4b:s4+s2] =	stream.indirect_vreg.scatter [tilespmem:s16], [sflag:$0x2], $0x80, v4, vm0, $0xb8;
	[tilespmem:$0xC100] =	vst v63  }
0x8a: {  	_ = 	snop  }
0x8b: {  	[hbm4b:s5+s2] =	stream.indirect_vreg.scatter [tilespmem:s17], [sflag:$0x2], $0x80, v4, vm0, $0xb8;
	[tilespmem:$0xC100] =	vst v63  }
0x8c: {  	_ = 	snop  }
0x8d: {  	[hbm4b:s3+s2] =	stream.indirect_vreg.scatter [tilespmem:s18], [sflag:$0x2], $0x80, v3, vm0, $0xb8;
	[tilespmem:$0xC100] =	vst v63  }
0x8e: {  	_ = 	snop  }
0x8f: {  	[hbm4b:s4+s2] =	stream.indirect_vreg.scatter [tilespmem:s19], [sflag:$0x2], $0x80, v3, vm0, $0xb8;
	[tilespmem:$0xC100] =	vst v63  }
0x90: {  	_ = 	snop  }
0x91: {  	[hbm4b:s5+s2] =	stream.indirect_vreg.scatter [tilespmem:s20], [sflag:$0x2], $0x80, v3, vm0, $0xb8;
	[tilespmem:$0xC100] =	vst v63  }
0x92: {  	v3 =	vld [tilespmem:$0xA0];
	_ =	sdelay $0x4  }
0x93: {  	v62 =	vshrl.u32 v3, $0x3  }
0x94: {  	v4 =	vmul.u32 $0x30, v62  }
0x95: {  	v3 =	vand.u32 $0x7, v3  }
0x96: {  	v3 =	vor.u32 v3, v4  }
0x97: {  	v4 =	vperm.xlane v3, v0;
	_ =	sdelay $0x1  }
0x98: {  	v4 =	vadd.s32 v1, v4;
	_ =	sdelay $0x3  }
0x99: {  	v3 =	vperm.xlane v3, v2  }
0x9a: {  	[hbm4b:s3+s2] =	stream.indirect_vreg.scatter [tilespmem:s21], [sflag:$0x2], $0x80, v4, vm0, $0xb8;
	[tilespmem:$0xC100] =	vst v63  }
0x9b: {  	v3 =	vadd.s32 v1, v3  }
0x9c: {  	[hbm4b:s4+s2] =	stream.indirect_vreg.scatter [tilespmem:s22], [sflag:$0x2], $0x80, v4, vm0, $0xb8;
	[tilespmem:$0xC100] =	vst v63  }
0x9d: {  	_ = 	snop  }
0x9e: {  	[hbm4b:s5+s2] =	stream.indirect_vreg.scatter [tilespmem:s23], [sflag:$0x2], $0x80, v4, vm0, $0xb8;
	[tilespmem:$0xC100] =	vst v63  }
0x9f: {  	_ = 	snop  }
0xa0: {  	[hbm4b:s3+s2] =	stream.indirect_vreg.scatter [tilespmem:s24], [sflag:$0x2], $0x80, v3, vm0, $0xb8;
	[tilespmem:$0xC100] =	vst v63  }
0xa1: {  	_ = 	snop  }
0xa2: {  	[hbm4b:s4+s2] =	stream.indirect_vreg.scatter [tilespmem:s25], [sflag:$0x2], $0x80, v3, vm0, $0xb8;
	[tilespmem:$0xC100] =	vst v63  }
0xa3: {  	_ = 	snop  }
0xa4: {  	[hbm4b:s5+s2] =	stream.indirect_vreg.scatter [tilespmem:s26], [sflag:$0x2], $0x80, v3, vm0, $0xb8;
	[tilespmem:$0xC100] =	vst v63  }
0xa5: {  	v3 =	vld [tilespmem:$0xB0];
	_ =	sdelay $0x4  }
0xa6: {  	v63 =	vshrl.u32 v3, $0x3  }
0xa7: {  	v4 =	vmul.u32 $0x30, v63  }
0xa8: {  	v3 =	vand.u32 $0x7, v3  }
0xa9: {  	v3 =	vor.u32 v3, v4  }
0xaa: {  	v4 =	vperm.xlane v3, v0;
	_ =	sdelay $0x1  }
0xab: {  	v4 =	vadd.s32 v1, v4;
	_ =	sdelay $0x3  }
0xac: {  	v3 =	vperm.xlane v3, v2  }
0xad: {  	[hbm4b:s3+s2] =	stream.indirect_vreg.scatter [tilespmem:s28], [sflag:$0x2], $0x80, v4, vm0, $0xb8;
	[tilespmem:$0xC100] =	vst v63  }
0xae: {  	v3 =	vadd.s32 v1, v3  }
0xaf: {  	[hbm4b:s4+s2] =	stream.indirect_vreg.scatter [tilespmem:s29], [sflag:$0x2], $0x80, v4, vm0, $0xb8;
	[tilespmem:$0xC100] =	vst v63  }
0xb0: {  	_ = 	snop  }
0xb1: {  	[hbm4b:s5+s2] =	stream.indirect_vreg.scatter [tilespmem:s30], [sflag:$0x2], $0x80, v4, vm0, $0xb8;
	[tilespmem:$0xC100] =	vst v63  }
0xb2: {  	_ = 	snop  }
0xb3: {  	[hbm4b:s3+s2] =	stream.indirect_vreg.scatter [tilespmem:s31], [sflag:$0x2], $0x80, v3, vm0, $0xb8;
	[tilespmem:$0xC100] =	vst v63  }
0xb4: {  	_ = 	snop  }
0xb5: {  	[hbm4b:s4+s2] =	stream.indirect_vreg.scatter [tilespmem:s1], [sflag:$0x2], $0x80, v3, vm0, $0xb8;
	[tilespmem:$0xC100] =	vst v63  }
0xb6: {  	s11 =	simm.s32 $0x1  }
0xb7: {  	[hbm4b:s5+s2] =	stream.indirect_vreg.scatter [tilespmem:s7], [sflag:$0x2], $0x80, v3, vm0, $0xb8;
	[tilespmem:$0xC100] =	vst v63  }
0xb8: {  	p0 =	sne.s32 s6, $0x1;
	_ =	swait.ge [sflag:s11], $0xC000  }
.Ltmp0:
0xb9: {  	[sflag:s11] =	ssyncset.done $0x0;
	(pc) =	sbr.rel @p0 .LBB2_1-.Ltmp0, $4  }
0xba: {  	[sflag:s11] =	ssyncadd.s32 $0xFFFF4000  }
0xbb: {  	_ =	swait.ge [sflag:s9], $0xC000  }
0xbc: {  	[sflag:s9] =	ssyncset.done $0x0  }
0xbd: {  	s6 =	sadd.s32 $0xFFFFFFFF, s6;
	[sflag:s9] =	ssyncadd.s32 $0xFFFF4000  }
0xbe: {  	_ =	sfence.sel $0x180000  }
0xbf: {  	[bflag:$0x0] =	sbarrier.arrive $0xFFFF  }
0xc0: {  	_ =	strace $0x90000047  }
0xc1: {  	s0 =	stileid.u32;
	[bflag:$0x2] =	sbarrier.arrive $0xFFFF  }
0xc2: {  	p0 =	sne.s32 s0, $0x0;
	s0 =	rddreg [dreg:$0x2]  }
0xc3: {  	s0 =	sadd.s32 @!p0 $0x100000, s0  }
0xc4: {  	[sflag:s0] =	ssyncadd.tile.s32 @!p0 $0x1;
	_ =	shalt  }
.Lfunc_end2:
_tile_overlayer_lowered:
.L_overlay_start_2:
0xc5: {  	(tag) =	ssettag $0x2  }
0xc6: {  	s0 =	rddreg [dreg:$0x0];
	s2 =	stileid.u32  }
0xc7: {  	s1 =	rddreg [dreg:$0x1];
	p0 =	sne.s32 s2, $0x0  }
0xc8: {  	s3 =	rddreg [dreg:$0x2];
	[bflag:$0x3] =	sbarrier.arrive $0xFFFF;
	s2 =	simm.s32 @!p0 $0x1C03  }
0xc9: {  	[timem:s3], [sflag:s2] =	dma.local @!p0 [hbm:s0], s1  }
0xca: {  	s0 =	simm.s32 @!p0 $0x3  }
0xcb: {  	_ =	swait.ge @!p0 [sflag:s0], s1  }
0xcc: {  	s1 =	ssub.s32 @!p0 $0x0, s1;
	[sflag:s0] =	ssyncset.done @!p0 $0x0  }
0xcd: {  	[sflag:s0] =	ssyncadd.s32 @!p0 s1  }
0xce: {  	[bflag:$0x3] =	sbarrier.arrive $0xFFFF  }
0xcf: {  	_ =	shalt  }

</sc_bundles>
